<compile_context>
chip_gen: v7x
topology: tpu7x:2x2x1
jax: 0.10.2.dev20260603
libtpu: 0.0.44.dev20260713+nightly
codegen_flags: <defaults>
</compile_context>

<pallas_src>
import functools

import jax
import jax.numpy as jnp
from jax import lax
from jax.experimental import pallas as pl
from jax.experimental.pallas import tpu as pltpu
from jax.experimental.pallas import tpu_sc as plsc

S = 7
NB = 2
C = 80
L_COORD = 5.0
L_NOOBJ = 0.5
B = 128
NGT = 24
SS = S * S
F = 5 * NB + C
PB_W = SS * F
NW = 32
IPT = B // NW


def _sqrt_newton(x):
    y = (x + 1.0) * 0.5
    for _ in range(6):
        y = 0.5 * (y + x / y)
    return y


@functools.partial(
    pl.kernel,
    mesh=plsc.VectorSubcoreMesh(core_axis_name="c", subcore_axis_name="s"),
    out_type=jax.ShapeDtypeStruct((NW, 16), jnp.float32),
    scratch_types=[
        pltpu.VMEM((IPT * PB_W,), jnp.float32),
        pltpu.VMEM((NGT * 4 * B,), jnp.float32),
        pltpu.VMEM((NGT * B,), jnp.int32),
        pltpu.VMEM((16,), jnp.float32),
    ],
    compiler_params=pltpu.CompilerParams(needs_layout_passes=False),
)
def _sc_loss_kernel(preds_hbm, box_hbm, lbl_hbm,
                    out_hbm, pred_v, box_v, lbl_v, part_v):
    wid = lax.axis_index("s") * 2 + lax.axis_index("c")
    pltpu.sync_copy(preds_hbm.at[pl.ds(wid * (IPT * PB_W), IPT * PB_W)], pred_v)
    pltpu.sync_copy(box_hbm, box_v)
    pltpu.sync_copy(lbl_hbm, lbl_v)

    lane = lax.iota(jnp.int32, 16)
    fzero = jnp.zeros((16,), jnp.float32)

    coord_acc = jnp.float32(0.0)
    obj_acc = jnp.float32(0.0)
    confw_acc = jnp.float32(0.0)
    confall_acc = jnp.float32(0.0)
    clsA_acc = jnp.float32(0.0)
    b_acc = jnp.float32(0.0)
    c_acc = jnp.float32(0.0)

    def img_body(img, accs):
        (coord_acc, obj_acc, confw_acc, confall_acc,
         clsA_acc, b_acc, c_acc) = accs
        pbase = img * PB_W
        cid = []
        lbls = []
        key = []
        pk = []
        pos = []
        valid = []
        se = []
        psel4 = []
        ibest = []
        b_abs = wid * IPT + img
        for ch in range(2):
            posc = jnp.minimum(lane + 16 * ch, NGT - 1)
            bb = posc * (4 * B) + b_abs
            gx1 = plsc.load_gather(box_v, [bb])
            gy1 = plsc.load_gather(box_v, [bb + B])
            gx2 = plsc.load_gather(box_v, [bb + 2 * B])
            gy2 = plsc.load_gather(box_v, [bb + 3 * B])
            lbl = plsc.load_gather(lbl_v, [posc * B + b_abs])
            v = lane < (NGT - 16 * ch)
            gcx = (gx1 + gx2) * 0.5
            gcy = (gy1 + gy2) * 0.5
            gw = gx2 - gx1
            gh = gy2 - gy1
            gi = jnp.clip((gcx * S).astype(jnp.int32), 0, S - 1)
            gj = jnp.clip((gcy * S).astype(jnp.int32), 0, S - 1)
            cidc = gj * S + gi
            gif = gi.astype(jnp.float32)
            gjf = gj.astype(jnp.float32)
            fb = cidc * F + pbase
            feats = [[plsc.load_gather(pred_v, [fb + (5 * n + f)])
                      for f in range(5)] for n in range(NB)]
            g_area = jnp.maximum(gw, 0.0) * jnp.maximum(gh, 0.0)
            ious = []
            for n in range(NB):
                px, py, pw, ph, _ = feats[n]
                pcx = (px + gif) / S
                pcy = (py + gjf) / S
                pw2 = pw * pw
                ph2 = ph * ph
                px1 = pcx - pw2 * 0.5
                py1 = pcy - ph2 * 0.5
                px2 = pcx + pw2 * 0.5
                py2 = pcy + ph2 * 0.5
                ix1 = jnp.maximum(px1, gx1)
                iy1 = jnp.maximum(py1, gy1)
                ix2 = jnp.minimum(px2, gx2)
                iy2 = jnp.minimum(py2, gy2)
                inter = (jnp.maximum(ix2 - ix1, 0.0)
                         * jnp.maximum(iy2 - iy1, 0.0))
                p_area = (jnp.maximum(px2 - px1, 0.0)
                          * jnp.maximum(py2 - py1, 0.0))
                ious.append(inter / (p_area + g_area - inter + 1e-6))
            bestc = ious[1] > ious[0]
            ibc = jnp.where(bestc, ious[1], ious[0])
            ps = [jnp.where(bestc, feats[1][f], feats[0][f]) for f in range(5)]
            tx = gcx * S - gif
            ty = gcy * S - gjf
            tw = _sqrt_newton(gw)
            th = _sqrt_newton(gh)
            d0 = ps[0] - tx
            d1 = ps[1] - ty
            d2 = ps[2] - tw
            d3 = ps[3] - th
            sec = d0 * d0 + d1 * d1 + d2 * d2 + d3 * d3
            cid.append(cidc)
            lbls.append(lbl)
            key.append(cidc * 2 + bestc.astype(jnp.int32))
            pk.append(cidc * C + lbl)
            pos.append(lane + 16 * ch)
            valid.append(v)
            se.append(sec)
            psel4.append(ps[4])
            ibest.append(ibc)

        bfalse = jnp.zeros((16,), jnp.bool_)

        def pair_body(j, carry):
            clob0, clob1, dupP0, dupP1, dupC0, dupC1 = carry
            jm = jnp.where(j < 16, j, j - 16)
            in0 = j < 16
            lm = lane == jm
            key_j = jnp.max(jnp.where(lm, jnp.where(in0, key[0], key[1]), 0))
            pk_j = jnp.max(jnp.where(lm, jnp.where(in0, pk[0], pk[1]), 0))
            cid_j = jnp.max(jnp.where(lm, jnp.where(in0, cid[0], cid[1]), 0))
            clob0 = clob0 | ((key[0] == key_j) & (pos[0] < j))
            clob1 = clob1 | ((key[1] == key_j) & (pos[1] < j))
            dupP0 = dupP0 | ((pk[0] == pk_j) & (pos[0] > j))
            dupP1 = dupP1 | ((pk[1] == pk_j) & (pos[1] > j))
            dupC0 = dupC0 | ((cid[0] == cid_j) & (pos[0] > j))
            dupC1 = dupC1 | ((cid[1] == cid_j) & (pos[1] > j))
            return clob0, clob1, dupP0, dupP1, dupC0, dupC1

        clob0, clob1, dupP0, dupP1, dupC0, dupC1 = lax.fori_loop(
            0, NGT, pair_body,
            (bfalse, bfalse, bfalse, bfalse, bfalse, bfalse))

        winner = [valid[0] & ~clob0, valid[1] & ~clob1]
        distinct = [valid[0] & ~dupP0, valid[1] & ~dupP1]
        dcell = [valid[0] & ~dupC0, valid[1] & ~dupC1]

        for ch in range(2):
            w = winner[ch]
            coord_acc += jnp.sum(jnp.where(w, se[ch], fzero))
            dob = psel4[ch] - ibest[ch]
            obj_acc += jnp.sum(jnp.where(w, dob * dob, fzero))
            confw_acc += jnp.sum(jnp.where(w, psel4[ch] * psel4[ch], fzero))
            gcls = plsc.load_gather(
                pred_v, [pbase + cid[ch] * F + (5 * NB) + lbls[ch]])
            b_acc += jnp.sum(jnp.where(distinct[ch], gcls, fzero))
            c_acc += jnp.sum(
                jnp.where(distinct[ch], jnp.ones((16,), jnp.float32), fzero))

        fb0 = cid[0] * F + pbase + (5 * NB)
        fb1 = cid[1] * F + pbase + (5 * NB)

        def css_body(l, carry):
            a0, a1 = carry
            for dl in range(4):
                g0 = plsc.load_gather(pred_v, [fb0 + l * 4 + dl])
                g1 = plsc.load_gather(pred_v, [fb1 + l * 4 + dl])
                a0 = a0 + g0 * g0
                a1 = a1 + g1 * g1
            return a0, a1

        cssv0, cssv1 = lax.fori_loop(0, C // 4, css_body, (fzero, fzero))
        clsA_acc += jnp.sum(jnp.where(dcell[0], cssv0, fzero))
        clsA_acc += jnp.sum(jnp.where(dcell[1], cssv1, fzero))

        for cc in range(4):
            cells = lane + 16 * cc
            cmask = cells < SS
            cellc = jnp.minimum(cells, SS - 1)
            v4 = plsc.load_gather(pred_v, [pbase + cellc * F + 4])
            v9 = plsc.load_gather(pred_v, [pbase + cellc * F + 9])
            confall_acc += jnp.sum(jnp.where(cmask, v4 * v4 + v9 * v9, fzero))
        return (coord_acc, obj_acc, confw_acc, confall_acc,
                clsA_acc, b_acc, c_acc)

    (coord_acc, obj_acc, confw_acc, confall_acc,
     clsA_acc, b_acc, c_acc) = lax.fori_loop(
        0, IPT, img_body,
        (coord_acc, obj_acc, confw_acc, confall_acc,
         clsA_acc, b_acc, c_acc))

    p = jnp.zeros((16,), jnp.float32)
    p = jnp.where(lane == 0, coord_acc * L_COORD, p)
    p = jnp.where(lane == 1, obj_acc, p)
    p = jnp.where(lane == 2, confw_acc, p)
    p = jnp.where(lane == 3, confall_acc, p)
    p = jnp.where(lane == 4, clsA_acc, p)
    p = jnp.where(lane == 5, b_acc, p)
    p = jnp.where(lane == 6, c_acc, p)
    part_v[...] = p
    pltpu.sync_copy(part_v, out_hbm.at[wid])


def kernel(preds, boxes, labels):
    preds_flat = preds.reshape(B * PB_W)
    box_flat = jnp.transpose(boxes, (1, 2, 0)).reshape(NGT * 4 * B)
    lbl_flat = jnp.transpose(labels, (1, 0)).reshape(NGT * B)
    parts = _sc_loss_kernel(preds_flat, box_flat, lbl_flat)
    coord_loss = jnp.sum(parts[:, 0])
    obj_loss = jnp.sum(parts[:, 1])
    noobj_loss = (jnp.sum(parts[:, 3]) - jnp.sum(parts[:, 2])) * L_NOOBJ
    cls_loss = (jnp.sum(parts[:, 4]) - 2.0 * jnp.sum(parts[:, 5])
                + jnp.sum(parts[:, 6]))
    total = coord_loss + obj_loss + noobj_loss + cls_loss
    return total, coord_loss, obj_loss, noobj_loss, cls_loss

# --- scband reference (transcript-rebuilt; emitter-appended) ---
"""Pipeline reference for scband-yolov1-loss-3272765080392 (READ-ONLY COPY).

The authoritative reference and input builder live on the scoring server;
editing this copy changes nothing except your own understanding.
"""

import jax, jax.numpy as jnp
import numpy as np

S = 7
NB = 2
C = 80
L_COORD = 5.0
L_NOOBJ = 0.5
BATCH = 128
NGT = 24


def _bbox_iou(box1, box2, eps=1e-6):
    ix1 = jnp.maximum(box1[..., 0], box2[..., 0])
    iy1 = jnp.maximum(box1[..., 1], box2[..., 1])
    ix2 = jnp.minimum(box1[..., 2], box2[..., 2])
    iy2 = jnp.minimum(box1[..., 3], box2[..., 3])
    iw = jnp.clip(ix2 - ix1, 0.0, None)
    ih = jnp.clip(iy2 - iy1, 0.0, None)
    inter = iw * ih
    a1 = jnp.clip(box1[..., 2] - box1[..., 0], 0.0, None) * jnp.clip(box1[..., 3] - box1[..., 1], 0.0, None)
    a2 = jnp.clip(box2[..., 2] - box2[..., 0], 0.0, None) * jnp.clip(box2[..., 3] - box2[..., 1], 0.0, None)
    union = a1 + a2 - inter + eps
    return inter / union


def setup_inputs(seed: int = 0):
    key = jax.random.key(seed)
    k1, k2, k3 = jax.random.split(key, 3)
    preds = jax.random.normal(k1, (BATCH, S, S, NB * 5 + C), dtype=jnp.float32)
    raw = jax.random.uniform(k2, (BATCH, NGT, 4), dtype=jnp.float32)
    x1 = raw[..., 0] * 0.8
    y1 = raw[..., 1] * 0.8
    x2 = jnp.minimum(x1 + 0.05 + raw[..., 2] * 0.15, 1.0)
    y2 = jnp.minimum(y1 + 0.05 + raw[..., 3] * 0.15, 1.0)
    boxes = jnp.stack([x1, y1, x2, y2], axis=-1)
    labels = jax.random.randint(k3, (BATCH, NGT), 0, C, dtype=jnp.int32)
    return {"preds": preds, "boxes": boxes, "labels": labels}


def _build_targets(pred_boxes, boxes, labels):
    Bsize = pred_boxes.shape[0]
    coord_t0 = jnp.zeros((Bsize, S, S, NB, 4), jnp.float32)
    conf_t0 = jnp.zeros((Bsize, S, S, NB), jnp.float32)
    obj_m0 = jnp.zeros((Bsize, S, S, NB), dtype=bool)
    cls_t0 = jnp.zeros((Bsize, S, S, C), jnp.float32)

    def body(t, carry):
        coord_t, conf_t, obj_m, cls_t = carry
        b = t // NGT
        k = t % NGT
        gb = boxes[b, k]
        gcx = (gb[0] + gb[2]) * 0.5
        gcy = (gb[1] + gb[3]) * 0.5
        gw = gb[2] - gb[0]
        gh = gb[3] - gb[1]
        gi = jnp.clip((gcx * S).astype(jnp.int32), 0, S - 1)
        gj = jnp.clip((gcy * S).astype(jnp.int32), 0, S - 1)
        p_cell = pred_boxes[b, gj, gi]
        p_cx = (p_cell[:, 0] + gi.astype(jnp.float32)) / S
        p_cy = (p_cell[:, 1] + gj.astype(jnp.float32)) / S
        p_w = p_cell[:, 2] ** 2
        p_h = p_cell[:, 3] ** 2
        p_xyxy = jnp.stack([p_cx - p_w / 2, p_cy - p_h / 2, p_cx + p_w / 2, p_cy + p_h / 2], axis=-1)
        g_xyxy = jnp.broadcast_to(gb, (NB, 4))
        ious = jax.lax.stop_gradient(_bbox_iou(p_xyxy, g_xyxy))
        best = jnp.argmax(ious)
        obj_m = obj_m.at[b, gj, gi, best].set(True)
        conf_t = conf_t.at[b, gj, gi, best].set(ious[best])
        tgt = jnp.stack([gcx * S - gi.astype(jnp.float32), gcy * S - gj.astype(jnp.float32), jnp.sqrt(gw), jnp.sqrt(gh)])
        coord_t = coord_t.at[b, gj, gi, best].set(tgt)
        cls_t = cls_t.at[b, gj, gi, labels[b, k]].set(1.0)
        return (coord_t, conf_t, obj_m, cls_t)

    return jax.lax.fori_loop(0, Bsize * NGT, body, (coord_t0, conf_t0, obj_m0, cls_t0))


def _loss(preds, boxes, labels):
    Bsize = preds.shape[0]
    pred_boxes = preds[..., : NB * 5].reshape(Bsize, S, S, NB, 5)
    pred_cls = preds[..., NB * 5:]
    coord_target, conf_target, obj_mask, class_target = _build_targets(jax.lax.stop_gradient(pred_boxes), boxes, labels)
    mf = obj_mask.astype(jnp.float32)
    coord_loss = jnp.sum(((pred_boxes[..., :4] - coord_target) ** 2) * mf[..., None]) * L_COORD
    conf_pred = pred_boxes[..., 4]
    obj_loss = jnp.sum(((conf_pred - conf_target) ** 2) * mf)
    noobj_loss = jnp.sum(((conf_pred - conf_target) ** 2) * (1.0 - mf)) * L_NOOBJ
    cell = jnp.any(obj_mask, axis=-1).astype(jnp.float32)
    cls_loss = jnp.sum(((pred_cls - class_target) ** 2) * cell[..., None])
    total = coord_loss + obj_loss + noobj_loss + cls_loss
    return total, coord_loss, obj_loss, noobj_loss, cls_loss


def reference(preds, boxes, labels):
    return _loss(preds, boxes, labels)

if __name__ == "__main__":
    import jax
    _d = setup_inputs()
    print(jax.jit(kernel)(*tuple(_d.values())))

</pallas_src>

<mosaic_0001>
#map = affine_map<(d0, d1) -> (0)>
#map1 = affine_map<(d0, d1) -> (0, 0)>
module attributes {stable_mosaic.version = 14 : i64} {
  func.func @_sc_loss_kernel(%arg0: i32, %arg1: i32, %arg2: memref<564480xf32, #tpu.memory_space<hbm>>, %arg3: memref<12288xf32, #tpu.memory_space<hbm>>, %arg4: memref<3072xi32, #tpu.memory_space<hbm>>, %arg5: memref<32x16xf32, #tpu.memory_space<hbm>>, %arg6: memref<17640xf32, #tpu.memory_space<vmem>>, %arg7: memref<12288xf32, #tpu.memory_space<vmem>>, %arg8: memref<3072xi32, #tpu.memory_space<vmem>>, %arg9: memref<16xf32, #tpu.memory_space<vmem>>) attributes {dimension_semantics = [#tpu.dimension_semantics<core_parallel>, #tpu.dimension_semantics<subcore_parallel>], iteration_bounds = array<i64: 2, 16>, scalar_prefetch = 0 : i64, scratch_operands = 4 : i64, tpu.core_type = #tpu.core_type<sc_vector_subcore>, window_params = [{transform_indices = #map}, {transform_indices = #map}, {transform_indices = #map}, {transform_indices = #map1}]} {
    %mul3A = arith.constant 2 : i32
    %mul3A_0 = arith.muli %arg1, %mul3A : i32
    %add3A = arith.addi %mul3A_0, %arg0 : i32
    %mul3A_1 = arith.constant 17640 : i32
    %mul3A_2 = arith.muli %add3A, %mul3A_1 : i32
    "tpu.region"() ({
      %run_scoped3A = tpu.sem_alloc : memref<!tpu.dma_semaphore, #tpu.memory_space<semaphore_mem>>
      %dma_start3A = tpu.memref_slice %arg2[%mul3A_2] : memref<564480xf32, #tpu.memory_space<hbm>> -> memref<17640xf32, #tpu.memory_space<hbm>>
      %dma_start3A_54 = tpu.memref_slice %arg2[%mul3A_2] : memref<564480xf32, #tpu.memory_space<hbm>> -> memref<17640xf32, #tpu.memory_space<hbm>>
      tpu.enqueue_dma source(%dma_start3A_54 : memref<17640xf32, #tpu.memory_space<hbm>>) target(%arg6 : memref<17640xf32, #tpu.memory_space<vmem>>) target_semaphore(%run_scoped3A : memref<!tpu.dma_semaphore, #tpu.memory_space<semaphore_mem>>)
      %dma_wait3A = tpu.memref_slice %arg2[%mul3A_2] : memref<564480xf32, #tpu.memory_space<hbm>> -> memref<17640xf32, #tpu.memory_space<hbm>>
      %dma_wait3A_55 = tpu.memref_slice %arg2[%mul3A_2] : memref<564480xf32, #tpu.memory_space<hbm>> -> memref<17640xf32, #tpu.memory_space<hbm>>
      tpu.wait_dma2 semaphore(%run_scoped3A : memref<!tpu.dma_semaphore, #tpu.memory_space<semaphore_mem>>) src(%dma_wait3A_55 : memref<17640xf32, #tpu.memory_space<hbm>>) dst(%arg6 : memref<17640xf32, #tpu.memory_space<vmem>>)
      tpu.yield
    }) : () -> ()
    "tpu.region"() ({
      %run_scoped3A = tpu.sem_alloc : memref<!tpu.dma_semaphore, #tpu.memory_space<semaphore_mem>>
      tpu.enqueue_dma source(%arg3 : memref<12288xf32, #tpu.memory_space<hbm>>) target(%arg7 : memref<12288xf32, #tpu.memory_space<vmem>>) target_semaphore(%run_scoped3A : memref<!tpu.dma_semaphore, #tpu.memory_space<semaphore_mem>>)
      tpu.wait_dma2 semaphore(%run_scoped3A : memref<!tpu.dma_semaphore, #tpu.memory_space<semaphore_mem>>) src(%arg3 : memref<12288xf32, #tpu.memory_space<hbm>>) dst(%arg7 : memref<12288xf32, #tpu.memory_space<vmem>>)
      tpu.yield
    }) : () -> ()
    "tpu.region"() ({
      %run_scoped3A = tpu.sem_alloc : memref<!tpu.dma_semaphore, #tpu.memory_space<semaphore_mem>>
      tpu.enqueue_dma source(%arg4 : memref<3072xi32, #tpu.memory_space<hbm>>) target(%arg8 : memref<3072xi32, #tpu.memory_space<vmem>>) target_semaphore(%run_scoped3A : memref<!tpu.dma_semaphore, #tpu.memory_space<semaphore_mem>>)
      tpu.wait_dma2 semaphore(%run_scoped3A : memref<!tpu.dma_semaphore, #tpu.memory_space<semaphore_mem>>) src(%arg4 : memref<3072xi32, #tpu.memory_space<hbm>>) dst(%arg8 : memref<3072xi32, #tpu.memory_space<vmem>>)
      tpu.yield
    }) : () -> ()
    %iota3A = tpu.iota {dimensions = array<i32: 0>} : vector<16xi32>
    %broadcast_in_dim3A = arith.constant 0.000000e+00 : f32
    %broadcast_in_dim3A_3 = vector.broadcast %broadcast_in_dim3A : f32 to vector<16xf32>
    %scan3A = arith.constant 0.000000e+00 : f32
    %scan3A_4 = arith.constant 0.000000e+00 : f32
    %scan3A_5 = arith.constant 0.000000e+00 : f32
    %scan3A_6 = arith.constant 0.000000e+00 : f32
    %scan3A_7 = arith.constant 0.000000e+00 : f32
    %scan3A_8 = arith.constant 0.000000e+00 : f32
    %scan3A_9 = arith.constant 0.000000e+00 : f32
    %scan3A_10 = arith.constant 0 : i32
    %scan3A_11 = arith.constant 4 : i32
    %scan3A_12 = arith.addi %scan3A_10, %scan3A_11 : i32
    %scan3A_13 = arith.constant 1 : i32
    %scan3A_14:7 = scf.for %scan3A_54 = %scan3A_10 to %scan3A_12 step %scan3A_13 iter_args(%scan3A_55 = %scan3A, %scan3A_56 = %scan3A_4, %scan3A_57 = %scan3A_5, %scan3A_58 = %scan3A_6, %scan3A_59 = %scan3A_7, %scan3A_60 = %scan3A_8, %scan3A_61 = %scan3A_9) -> (f32, f32, f32, f32, f32, f32, f32)  : i32 {
      %mul3A_62 = arith.constant 4410 : i32
      %mul3A_63 = arith.muli %scan3A_54, %mul3A_62 : i32
      %mul3A_64 = arith.constant 4 : i32
      %mul3A_65 = arith.muli %add3A, %mul3A_64 : i32
      %add3A_66 = arith.addi %mul3A_65, %scan3A_54 : i32
      %add3A_67 = arith.constant 0 : i32
      %add3A_68 = vector.broadcast %add3A_67 : i32 to vector<16xi32>
      %add3A_69 = arith.addi %iota3A, %add3A_68 : vector<16xi32>
      %min3A = arith.constant 23 : i32
      %min3A_70 = vector.broadcast %min3A : i32 to vector<16xi32>
      %min3A_71 = arith.minsi %add3A_69, %min3A_70 : vector<16xi32>
      %mul3A_72 = arith.constant 512 : i32
      %mul3A_73 = vector.broadcast %mul3A_72 : i32 to vector<16xi32>
      %mul3A_74 = arith.muli %min3A_71, %mul3A_73 : vector<16xi32>
      %add3A_75 = vector.broadcast %add3A_66 : i32 to vector<16xi32>
      %add3A_76 = arith.addi %mul3A_74, %add3A_75 : vector<16xi32>
      %gather3A = tpu.vector_load_idx %arg7[%add3A_76] : memref<12288xf32, #tpu.memory_space<vmem>>[vector<16xi32>], vector<16xf32>,
      %add3A_77 = arith.constant 128 : i32
      %add3A_78 = vector.broadcast %add3A_77 : i32 to vector<16xi32>
      %add3A_79 = arith.addi %add3A_76, %add3A_78 : vector<16xi32>
      %gather3A_80 = tpu.vector_load_idx %arg7[%add3A_79] : memref<12288xf32, #tpu.memory_space<vmem>>[vector<16xi32>], vector<16xf32>,
      %add3A_81 = arith.constant 256 : i32
      %add3A_82 = vector.broadcast %add3A_81 : i32 to vector<16xi32>
      %add3A_83 = arith.addi %add3A_76, %add3A_82 : vector<16xi32>
      %gather3A_84 = tpu.vector_load_idx %arg7[%add3A_83] : memref<12288xf32, #tpu.memory_space<vmem>>[vector<16xi32>], vector<16xf32>,
      %add3A_85 = arith.constant 384 : i32
      %add3A_86 = vector.broadcast %add3A_85 : i32 to vector<16xi32>
      %add3A_87 = arith.addi %add3A_76, %add3A_86 : vector<16xi32>
      %gather3A_88 = tpu.vector_load_idx %arg7[%add3A_87] : memref<12288xf32, #tpu.memory_space<vmem>>[vector<16xi32>], vector<16xf32>,
      %mul3A_89 = arith.constant 128 : i32
      %mul3A_90 = vector.broadcast %mul3A_89 : i32 to vector<16xi32>
      %mul3A_91 = arith.muli %min3A_71, %mul3A_90 : vector<16xi32>
      %add3A_92 = vector.broadcast %add3A_66 : i32 to vector<16xi32>
      %add3A_93 = arith.addi %mul3A_91, %add3A_92 : vector<16xi32>
      %gather3A_94 = tpu.vector_load_idx %arg8[%add3A_93] : memref<3072xi32, #tpu.memory_space<vmem>>[vector<16xi32>], vector<16xi32>,
      %lt3A = arith.constant 24 : i32
      %lt3A_95 = vector.broadcast %lt3A : i32 to vector<16xi32>
      %lt3A_96 = arith.cmpi slt, %iota3A, %lt3A_95 : vector<16xi32>
      %add3A_97 = arith.addf %gather3A, %gather3A_84 : vector<16xf32>
      %mul3A_98 = arith.constant 5.000000e-01 : f32
      %mul3A_99 = vector.broadcast %mul3A_98 : f32 to vector<16xf32>
      %mul3A_100 = arith.mulf %add3A_97, %mul3A_99 : vector<16xf32>
      %add3A_101 = arith.addf %gather3A_80, %gather3A_88 : vector<16xf32>
      %mul3A_102 = arith.constant 5.000000e-01 : f32
      %mul3A_103 = vector.broadcast %mul3A_102 : f32 to vector<16xf32>
      %mul3A_104 = arith.mulf %add3A_101, %mul3A_103 : vector<16xf32>
      %sub3A = arith.subf %gather3A_84, %gather3A : vector<16xf32>
      %sub3A_105 = arith.subf %gather3A_88, %gather3A_80 : vector<16xf32>
      %mul3A_106 = arith.constant 7.000000e+00 : f32
      %mul3A_107 = vector.broadcast %mul3A_106 : f32 to vector<16xf32>
      %mul3A_108 = arith.mulf %mul3A_100, %mul3A_107 : vector<16xf32>
      %convert_element_type3A = arith.fptosi %mul3A_108 : vector<16xf32> to vector<16xi32>
      %jit3A = arith.constant 0 : i32
      %jit3A_109 = arith.constant 6 : i32
      %max3A = vector.broadcast %jit3A : i32 to vector<16xi32>
      %max3A_110 = arith.maxsi %max3A, %convert_element_type3A : vector<16xi32>
      %min3A_111 = vector.broadcast %jit3A_109 : i32 to vector<16xi32>
      %min3A_112 = arith.minsi %min3A_111, %max3A_110 : vector<16xi32>
      %mul3A_113 = arith.constant 7.000000e+00 : f32
      %mul3A_114 = vector.broadcast %mul3A_113 : f32 to vector<16xf32>
      %mul3A_115 = arith.mulf %mul3A_104, %mul3A_114 : vector<16xf32>
      %convert_element_type3A_116 = arith.fptosi %mul3A_115 : vector<16xf32> to vector<16xi32>
      %jit3A_117 = arith.constant 0 : i32
      %jit3A_118 = arith.constant 6 : i32
      %max3A_119 = vector.broadcast %jit3A_117 : i32 to vector<16xi32>
      %max3A_120 = arith.maxsi %max3A_119, %convert_element_type3A_116 : vector<16xi32>
      %min3A_121 = vector.broadcast %jit3A_118 : i32 to vector<16xi32>
      %min3A_122 = arith.minsi %min3A_121, %max3A_120 : vector<16xi32>
      %mul3A_123 = arith.constant 7 : i32
      %mul3A_124 = vector.broadcast %mul3A_123 : i32 to vector<16xi32>
      %mul3A_125 = arith.muli %min3A_122, %mul3A_124 : vector<16xi32>
      %add3A_126 = arith.addi %mul3A_125, %min3A_112 : vector<16xi32>
      %convert_element_type3A_127 = arith.sitofp %min3A_112 : vector<16xi32> to vector<16xf32>
      %convert_element_type3A_128 = arith.sitofp %min3A_122 : vector<16xi32> to vector<16xf32>
      %mul3A_129 = arith.constant 90 : i32
      %mul3A_130 = vector.broadcast %mul3A_129 : i32 to vector<16xi32>
      %mul3A_131 = arith.muli %add3A_126, %mul3A_130 : vector<16xi32>
      %add3A_132 = vector.broadcast %mul3A_63 : i32 to vector<16xi32>
      %add3A_133 = arith.addi %mul3A_131, %add3A_132 : vector<16xi32>
      %add3A_134 = arith.constant 0 : i32
      %add3A_135 = vector.broadcast %add3A_134 : i32 to vector<16xi32>
      %add3A_136 = arith.addi %add3A_133, %add3A_135 : vector<16xi32>
      %gather3A_137 = tpu.vector_load_idx %arg6[%add3A_136] : memref<17640xf32, #tpu.memory_space<vmem>>[vector<16xi32>], vector<16xf32>,
      %add3A_138 = arith.constant 1 : i32
      %add3A_139 = vector.broadcast %add3A_138 : i32 to vector<16xi32>
      %add3A_140 = arith.addi %add3A_133, %add3A_139 : vector<16xi32>
      %gather3A_141 = tpu.vector_load_idx %arg6[%add3A_140] : memref<17640xf32, #tpu.memory_space<vmem>>[vector<16xi32>], vector<16xf32>,
      %add3A_142 = arith.constant 2 : i32
      %add3A_143 = vector.broadcast %add3A_142 : i32 to vector<16xi32>
      %add3A_144 = arith.addi %add3A_133, %add3A_143 : vector<16xi32>
      %gather3A_145 = tpu.vector_load_idx %arg6[%add3A_144] : memref<17640xf32, #tpu.memory_space<vmem>>[vector<16xi32>], vector<16xf32>,
      %add3A_146 = arith.constant 3 : i32
      %add3A_147 = vector.broadcast %add3A_146 : i32 to vector<16xi32>
      %add3A_148 = arith.addi %add3A_133, %add3A_147 : vector<16xi32>
      %gather3A_149 = tpu.vector_load_idx %arg6[%add3A_148] : memref<17640xf32, #tpu.memory_space<vmem>>[vector<16xi32>], vector<16xf32>,
      %add3A_150 = arith.constant 4 : i32
      %add3A_151 = vector.broadcast %add3A_150 : i32 to vector<16xi32>
      %add3A_152 = arith.addi %add3A_133, %add3A_151 : vector<16xi32>
      %gather3A_153 = tpu.vector_load_idx %arg6[%add3A_152] : memref<17640xf32, #tpu.memory_space<vmem>>[vector<16xi32>], vector<16xf32>,
      %add3A_154 = arith.constant 5 : i32
      %add3A_155 = vector.broadcast %add3A_154 : i32 to vector<16xi32>
      %add3A_156 = arith.addi %add3A_133, %add3A_155 : vector<16xi32>
      %gather3A_157 = tpu.vector_load_idx %arg6[%add3A_156] : memref<17640xf32, #tpu.memory_space<vmem>>[vector<16xi32>], vector<16xf32>,
      %add3A_158 = arith.constant 6 : i32
      %add3A_159 = vector.broadcast %add3A_158 : i32 to vector<16xi32>
      %add3A_160 = arith.addi %add3A_133, %add3A_159 : vector<16xi32>
      %gather3A_161 = tpu.vector_load_idx %arg6[%add3A_160] : memref<17640xf32, #tpu.memory_space<vmem>>[vector<16xi32>], vector<16xf32>,
      %add3A_162 = arith.constant 7 : i32
      %add3A_163 = vector.broadcast %add3A_162 : i32 to vector<16xi32>
      %add3A_164 = arith.addi %add3A_133, %add3A_163 : vector<16xi32>
      %gather3A_165 = tpu.vector_load_idx %arg6[%add3A_164] : memref<17640xf32, #tpu.memory_space<vmem>>[vector<16xi32>], vector<16xf32>,
      %add3A_166 = arith.constant 8 : i32
      %add3A_167 = vector.broadcast %add3A_166 : i32 to vector<16xi32>
      %add3A_168 = arith.addi %add3A_133, %add3A_167 : vector<16xi32>
      %gather3A_169 = tpu.vector_load_idx %arg6[%add3A_168] : memref<17640xf32, #tpu.memory_space<vmem>>[vector<16xi32>], vector<16xf32>,
      %add3A_170 = arith.constant 9 : i32
      %add3A_171 = vector.broadcast %add3A_170 : i32 to vector<16xi32>
      %add3A_172 = arith.addi %add3A_133, %add3A_171 : vector<16xi32>
      %gather3A_173 = tpu.vector_load_idx %arg6[%add3A_172] : memref<17640xf32, #tpu.memory_space<vmem>>[vector<16xi32>], vector<16xf32>,
      %max3A_174 = arith.constant 0.000000e+00 : f32
      %max3A_175 = vector.broadcast %max3A_174 : f32 to vector<16xf32>
      %max3A_176 = arith.maximumf %sub3A, %max3A_175 : vector<16xf32>
      %max3A_177 = arith.constant 0.000000e+00 : f32
      %max3A_178 = vector.broadcast %max3A_177 : f32 to vector<16xf32>
      %max3A_179 = arith.maximumf %sub3A_105, %max3A_178 : vector<16xf32>
      %mul3A_180 = arith.mulf %max3A_176, %max3A_179 : vector<16xf32>
      %add3A_181 = arith.addf %gather3A_137, %convert_element_type3A_127 : vector<16xf32>
      %div3A = arith.constant 7.000000e+00 : f32
      %div3A_182 = vector.broadcast %div3A : f32 to vector<16xf32>
      %div3A_183 = arith.divf %add3A_181, %div3A_182 : vector<16xf32>
      %add3A_184 = arith.addf %gather3A_141, %convert_element_type3A_128 : vector<16xf32>
      %div3A_185 = arith.constant 7.000000e+00 : f32
      %div3A_186 = vector.broadcast %div3A_185 : f32 to vector<16xf32>
      %div3A_187 = arith.divf %add3A_184, %div3A_186 : vector<16xf32>
      %mul3A_188 = arith.mulf %gather3A_145, %gather3A_145 : vector<16xf32>
      %mul3A_189 = arith.mulf %gather3A_149, %gather3A_149 : vector<16xf32>
      %mul3A_190 = arith.constant 5.000000e-01 : f32
      %mul3A_191 = vector.broadcast %mul3A_190 : f32 to vector<16xf32>
      %mul3A_192 = arith.mulf %mul3A_188, %mul3A_191 : vector<16xf32>
      %sub3A_193 = arith.subf %div3A_183, %mul3A_192 : vector<16xf32>
      %mul3A_194 = arith.constant 5.000000e-01 : f32
      %mul3A_195 = vector.broadcast %mul3A_194 : f32 to vector<16xf32>
      %mul3A_196 = arith.mulf %mul3A_189, %mul3A_195 : vector<16xf32>
      %sub3A_197 = arith.subf %div3A_187, %mul3A_196 : vector<16xf32>
      %mul3A_198 = arith.constant 5.000000e-01 : f32
      %mul3A_199 = vector.broadcast %mul3A_198 : f32 to vector<16xf32>
      %mul3A_200 = arith.mulf %mul3A_188, %mul3A_199 : vector<16xf32>
      %add3A_201 = arith.addf %div3A_183, %mul3A_200 : vector<16xf32>
      %mul3A_202 = arith.constant 5.000000e-01 : f32
      %mul3A_203 = vector.broadcast %mul3A_202 : f32 to vector<16xf32>
      %mul3A_204 = arith.mulf %mul3A_189, %mul3A_203 : vector<16xf32>
      %add3A_205 = arith.addf %div3A_187, %mul3A_204 : vector<16xf32>
      %max3A_206 = arith.maximumf %sub3A_193, %gather3A : vector<16xf32>
      %max3A_207 = arith.maximumf %sub3A_197, %gather3A_80 : vector<16xf32>
      %min3A_208 = arith.minimumf %add3A_201, %gather3A_84 : vector<16xf32>
      %min3A_209 = arith.minimumf %add3A_205, %gather3A_88 : vector<16xf32>
      %sub3A_210 = arith.subf %min3A_208, %max3A_206 : vector<16xf32>
      %max3A_211 = arith.constant 0.000000e+00 : f32
      %max3A_212 = vector.broadcast %max3A_211 : f32 to vector<16xf32>
      %max3A_213 = arith.maximumf %sub3A_210, %max3A_212 : vector<16xf32>
      %sub3A_214 = arith.subf %min3A_209, %max3A_207 : vector<16xf32>
      %max3A_215 = arith.constant 0.000000e+00 : f32
      %max3A_216 = vector.broadcast %max3A_215 : f32 to vector<16xf32>
      %max3A_217 = arith.maximumf %sub3A_214, %max3A_216 : vector<16xf32>
      %mul3A_218 = arith.mulf %max3A_213, %max3A_217 : vector<16xf32>
      %sub3A_219 = arith.subf %add3A_201, %sub3A_193 : vector<16xf32>
      %max3A_220 = arith.constant 0.000000e+00 : f32
      %max3A_221 = vector.broadcast %max3A_220 : f32 to vector<16xf32>
      %max3A_222 = arith.maximumf %sub3A_219, %max3A_221 : vector<16xf32>
      %sub3A_223 = arith.subf %add3A_205, %sub3A_197 : vector<16xf32>
      %max3A_224 = arith.constant 0.000000e+00 : f32
      %max3A_225 = vector.broadcast %max3A_224 : f32 to vector<16xf32>
      %max3A_226 = arith.maximumf %sub3A_223, %max3A_225 : vector<16xf32>
      %mul3A_227 = arith.mulf %max3A_222, %max3A_226 : vector<16xf32>
      %add3A_228 = arith.addf %mul3A_227, %mul3A_180 : vector<16xf32>
      %sub3A_229 = arith.subf %add3A_228, %mul3A_218 : vector<16xf32>
      %add3A_230 = arith.constant 9.99999997E-7 : f32
      %add3A_231 = vector.broadcast %add3A_230 : f32 to vector<16xf32>
      %add3A_232 = arith.addf %sub3A_229, %add3A_231 : vector<16xf32>
      %div3A_233 = arith.divf %mul3A_218, %add3A_232 : vector<16xf32>
      %add3A_234 = arith.addf %gather3A_157, %convert_element_type3A_127 : vector<16xf32>
      %div3A_235 = arith.constant 7.000000e+00 : f32
      %div3A_236 = vector.broadcast %div3A_235 : f32 to vector<16xf32>
      %div3A_237 = arith.divf %add3A_234, %div3A_236 : vector<16xf32>
      %add3A_238 = arith.addf %gather3A_161, %convert_element_type3A_128 : vector<16xf32>
      %div3A_239 = arith.constant 7.000000e+00 : f32
      %div3A_240 = vector.broadcast %div3A_239 : f32 to vector<16xf32>
      %div3A_241 = arith.divf %add3A_238, %div3A_240 : vector<16xf32>
      %mul3A_242 = arith.mulf %gather3A_165, %gather3A_165 : vector<16xf32>
      %mul3A_243 = arith.mulf %gather3A_169, %gather3A_169 : vector<16xf32>
      %mul3A_244 = arith.constant 5.000000e-01 : f32
      %mul3A_245 = vector.broadcast %mul3A_244 : f32 to vector<16xf32>
      %mul3A_246 = arith.mulf %mul3A_242, %mul3A_245 : vector<16xf32>
      %sub3A_247 = arith.subf %div3A_237, %mul3A_246 : vector<16xf32>
      %mul3A_248 = arith.constant 5.000000e-01 : f32
      %mul3A_249 = vector.broadcast %mul3A_248 : f32 to vector<16xf32>
      %mul3A_250 = arith.mulf %mul3A_243, %mul3A_249 : vector<16xf32>
      %sub3A_251 = arith.subf %div3A_241, %mul3A_250 : vector<16xf32>
      %mul3A_252 = arith.constant 5.000000e-01 : f32
      %mul3A_253 = vector.broadcast %mul3A_252 : f32 to vector<16xf32>
      %mul3A_254 = arith.mulf %mul3A_242, %mul3A_253 : vector<16xf32>
      %add3A_255 = arith.addf %div3A_237, %mul3A_254 : vector<16xf32>
      %mul3A_256 = arith.constant 5.000000e-01 : f32
      %mul3A_257 = vector.broadcast %mul3A_256 : f32 to vector<16xf32>
      %mul3A_258 = arith.mulf %mul3A_243, %mul3A_257 : vector<16xf32>
      %add3A_259 = arith.addf %div3A_241, %mul3A_258 : vector<16xf32>
      %max3A_260 = arith.maximumf %sub3A_247, %gather3A : vector<16xf32>
      %max3A_261 = arith.maximumf %sub3A_251, %gather3A_80 : vector<16xf32>
      %min3A_262 = arith.minimumf %add3A_255, %gather3A_84 : vector<16xf32>
      %min3A_263 = arith.minimumf %add3A_259, %gather3A_88 : vector<16xf32>
      %sub3A_264 = arith.subf %min3A_262, %max3A_260 : vector<16xf32>
      %max3A_265 = arith.constant 0.000000e+00 : f32
      %max3A_266 = vector.broadcast %max3A_265 : f32 to vector<16xf32>
      %max3A_267 = arith.maximumf %sub3A_264, %max3A_266 : vector<16xf32>
      %sub3A_268 = arith.subf %min3A_263, %max3A_261 : vector<16xf32>
      %max3A_269 = arith.constant 0.000000e+00 : f32
      %max3A_270 = vector.broadcast %max3A_269 : f32 to vector<16xf32>
      %max3A_271 = arith.maximumf %sub3A_268, %max3A_270 : vector<16xf32>
      %mul3A_272 = arith.mulf %max3A_267, %max3A_271 : vector<16xf32>
      %sub3A_273 = arith.subf %add3A_255, %sub3A_247 : vector<16xf32>
      %max3A_274 = arith.constant 0.000000e+00 : f32
      %max3A_275 = vector.broadcast %max3A_274 : f32 to vector<16xf32>
      %max3A_276 = arith.maximumf %sub3A_273, %max3A_275 : vector<16xf32>
      %sub3A_277 = arith.subf %add3A_259, %sub3A_251 : vector<16xf32>
      %max3A_278 = arith.constant 0.000000e+00 : f32
      %max3A_279 = vector.broadcast %max3A_278 : f32 to vector<16xf32>
      %max3A_280 = arith.maximumf %sub3A_277, %max3A_279 : vector<16xf32>
      %mul3A_281 = arith.mulf %max3A_276, %max3A_280 : vector<16xf32>
      %add3A_282 = arith.addf %mul3A_281, %mul3A_180 : vector<16xf32>
      %sub3A_283 = arith.subf %add3A_282, %mul3A_272 : vector<16xf32>
      %add3A_284 = arith.constant 9.99999997E-7 : f32
      %add3A_285 = vector.broadcast %add3A_284 : f32 to vector<16xf32>
      %add3A_286 = arith.addf %sub3A_283, %add3A_285 : vector<16xf32>
      %div3A_287 = arith.divf %mul3A_272, %add3A_286 : vector<16xf32>
      %gt3A = arith.cmpf ogt, %div3A_287, %div3A_233 : vector<16xf32>
      %select_n3A_288 = arith.select %gt3A, %div3A_287, %div3A_233 : vector<16xi1>, vector<16xf32>
      %select_n3A_289 = arith.select %gt3A, %gather3A_157, %gather3A_137 : vector<16xi1>, vector<16xf32>
      %select_n3A_290 = arith.select %gt3A, %gather3A_161, %gather3A_141 : vector<16xi1>, vector<16xf32>
      %select_n3A_291 = arith.select %gt3A, %gather3A_165, %gather3A_145 : vector<16xi1>, vector<16xf32>
      %select_n3A_292 = arith.select %gt3A, %gather3A_169, %gather3A_149 : vector<16xi1>, vector<16xf32>
      %select_n3A_293 = arith.select %gt3A, %gather3A_173, %gather3A_153 : vector<16xi1>, vector<16xf32>
      %mul3A_294 = arith.constant 7.000000e+00 : f32
      %mul3A_295 = vector.broadcast %mul3A_294 : f32 to vector<16xf32>
      %mul3A_296 = arith.mulf %mul3A_100, %mul3A_295 : vector<16xf32>
      %sub3A_297 = arith.subf %mul3A_296, %convert_element_type3A_127 : vector<16xf32>
      %mul3A_298 = arith.constant 7.000000e+00 : f32
      %mul3A_299 = vector.broadcast %mul3A_298 : f32 to vector<16xf32>
      %mul3A_300 = arith.mulf %mul3A_104, %mul3A_299 : vector<16xf32>
      %sub3A_301 = arith.subf %mul3A_300, %convert_element_type3A_128 : vector<16xf32>
      %add3A_302 = arith.constant 1.000000e+00 : f32
      %add3A_303 = vector.broadcast %add3A_302 : f32 to vector<16xf32>
      %add3A_304 = arith.addf %sub3A, %add3A_303 : vector<16xf32>
      %mul3A_305 = arith.constant 5.000000e-01 : f32
      %mul3A_306 = vector.broadcast %mul3A_305 : f32 to vector<16xf32>
      %mul3A_307 = arith.mulf %add3A_304, %mul3A_306 : vector<16xf32>
      %div3A_308 = arith.divf %sub3A, %mul3A_307 : vector<16xf32>
      %add3A_309 = arith.addf %mul3A_307, %div3A_308 : vector<16xf32>
      %mul3A_310 = arith.constant 5.000000e-01 : f32
      %mul3A_311 = vector.broadcast %mul3A_310 : f32 to vector<16xf32>
      %mul3A_312 = arith.mulf %mul3A_311, %add3A_309 : vector<16xf32>
      %div3A_313 = arith.divf %sub3A, %mul3A_312 : vector<16xf32>
      %add3A_314 = arith.addf %mul3A_312, %div3A_313 : vector<16xf32>
      %mul3A_315 = arith.constant 5.000000e-01 : f32
      %mul3A_316 = vector.broadcast %mul3A_315 : f32 to vector<16xf32>
      %mul3A_317 = arith.mulf %mul3A_316, %add3A_314 : vector<16xf32>
      %div3A_318 = arith.divf %sub3A, %mul3A_317 : vector<16xf32>
      %add3A_319 = arith.addf %mul3A_317, %div3A_318 : vector<16xf32>
      %mul3A_320 = arith.constant 5.000000e-01 : f32
      %mul3A_321 = vector.broadcast %mul3A_320 : f32 to vector<16xf32>
      %mul3A_322 = arith.mulf %mul3A_321, %add3A_319 : vector<16xf32>
      %div3A_323 = arith.divf %sub3A, %mul3A_322 : vector<16xf32>
      %add3A_324 = arith.addf %mul3A_322, %div3A_323 : vector<16xf32>
      %mul3A_325 = arith.constant 5.000000e-01 : f32
      %mul3A_326 = vector.broadcast %mul3A_325 : f32 to vector<16xf32>
      %mul3A_327 = arith.mulf %mul3A_326, %add3A_324 : vector<16xf32>
      %div3A_328 = arith.divf %sub3A, %mul3A_327 : vector<16xf32>
      %add3A_329 = arith.addf %mul3A_327, %div3A_328 : vector<16xf32>
      %mul3A_330 = arith.constant 5.000000e-01 : f32
      %mul3A_331 = vector.broadcast %mul3A_330 : f32 to vector<16xf32>
      %mul3A_332 = arith.mulf %mul3A_331, %add3A_329 : vector<16xf32>
      %div3A_333 = arith.divf %sub3A, %mul3A_332 : vector<16xf32>
      %add3A_334 = arith.addf %mul3A_332, %div3A_333 : vector<16xf32>
      %mul3A_335 = arith.constant 5.000000e-01 : f32
      %mul3A_336 = vector.broadcast %mul3A_335 : f32 to vector<16xf32>
      %mul3A_337 = arith.mulf %mul3A_336, %add3A_334 : vector<16xf32>
      %add3A_338 = arith.constant 1.000000e+00 : f32
      %add3A_339 = vector.broadcast %add3A_338 : f32 to vector<16xf32>
      %add3A_340 = arith.addf %sub3A_105, %add3A_339 : vector<16xf32>
      %mul3A_341 = arith.constant 5.000000e-01 : f32
      %mul3A_342 = vector.broadcast %mul3A_341 : f32 to vector<16xf32>
      %mul3A_343 = arith.mulf %add3A_340, %mul3A_342 : vector<16xf32>
      %div3A_344 = arith.divf %sub3A_105, %mul3A_343 : vector<16xf32>
      %add3A_345 = arith.addf %mul3A_343, %div3A_344 : vector<16xf32>
      %mul3A_346 = arith.constant 5.000000e-01 : f32
      %mul3A_347 = vector.broadcast %mul3A_346 : f32 to vector<16xf32>
      %mul3A_348 = arith.mulf %mul3A_347, %add3A_345 : vector<16xf32>
      %div3A_349 = arith.divf %sub3A_105, %mul3A_348 : vector<16xf32>
      %add3A_350 = arith.addf %mul3A_348, %div3A_349 : vector<16xf32>
      %mul3A_351 = arith.constant 5.000000e-01 : f32
      %mul3A_352 = vector.broadcast %mul3A_351 : f32 to vector<16xf32>
      %mul3A_353 = arith.mulf %mul3A_352, %add3A_350 : vector<16xf32>
      %div3A_354 = arith.divf %sub3A_105, %mul3A_353 : vector<16xf32>
      %add3A_355 = arith.addf %mul3A_353, %div3A_354 : vector<16xf32>
      %mul3A_356 = arith.constant 5.000000e-01 : f32
      %mul3A_357 = vector.broadcast %mul3A_356 : f32 to vector<16xf32>
      %mul3A_358 = arith.mulf %mul3A_357, %add3A_355 : vector<16xf32>
      %div3A_359 = arith.divf %sub3A_105, %mul3A_358 : vector<16xf32>
      %add3A_360 = arith.addf %mul3A_358, %div3A_359 : vector<16xf32>
      %mul3A_361 = arith.constant 5.000000e-01 : f32
      %mul3A_362 = vector.broadcast %mul3A_361 : f32 to vector<16xf32>
      %mul3A_363 = arith.mulf %mul3A_362, %add3A_360 : vector<16xf32>
      %div3A_364 = arith.divf %sub3A_105, %mul3A_363 : vector<16xf32>
      %add3A_365 = arith.addf %mul3A_363, %div3A_364 : vector<16xf32>
      %mul3A_366 = arith.constant 5.000000e-01 : f32
      %mul3A_367 = vector.broadcast %mul3A_366 : f32 to vector<16xf32>
      %mul3A_368 = arith.mulf %mul3A_367, %add3A_365 : vector<16xf32>
      %div3A_369 = arith.divf %sub3A_105, %mul3A_368 : vector<16xf32>
      %add3A_370 = arith.addf %mul3A_368, %div3A_369 : vector<16xf32>
      %mul3A_371 = arith.constant 5.000000e-01 : f32
      %mul3A_372 = vector.broadcast %mul3A_371 : f32 to vector<16xf32>
      %mul3A_373 = arith.mulf %mul3A_372, %add3A_370 : vector<16xf32>
      %sub3A_374 = arith.subf %select_n3A_289, %sub3A_297 : vector<16xf32>
      %sub3A_375 = arith.subf %select_n3A_290, %sub3A_301 : vector<16xf32>
      %sub3A_376 = arith.subf %select_n3A_291, %mul3A_337 : vector<16xf32>
      %sub3A_377 = arith.subf %select_n3A_292, %mul3A_373 : vector<16xf32>
      %mul3A_378 = arith.mulf %sub3A_374, %sub3A_374 : vector<16xf32>
      %mul3A_379 = arith.mulf %sub3A_375, %sub3A_375 : vector<16xf32>
      %add3A_380 = arith.addf %mul3A_378, %mul3A_379 : vector<16xf32>
      %mul3A_381 = arith.mulf %sub3A_376, %sub3A_376 : vector<16xf32>
      %add3A_382 = arith.addf %add3A_380, %mul3A_381 : vector<16xf32>
      %mul3A_383 = arith.mulf %sub3A_377, %sub3A_377 : vector<16xf32>
      %add3A_384 = arith.addf %add3A_382, %mul3A_383 : vector<16xf32>
      %mul3A_385 = arith.constant 2 : i32
      %mul3A_386 = vector.broadcast %mul3A_385 : i32 to vector<16xi32>
      %mul3A_387 = arith.muli %add3A_126, %mul3A_386 : vector<16xi32>
      %convert_element_type3A_388 = arith.extui %gt3A : vector<16xi1> to vector<16xi32>
      %add3A_389 = arith.addi %mul3A_387, %convert_element_type3A_388 : vector<16xi32>
      %mul3A_390 = arith.constant 80 : i32
      %mul3A_391 = vector.broadcast %mul3A_390 : i32 to vector<16xi32>
      %mul3A_392 = arith.muli %add3A_126, %mul3A_391 : vector<16xi32>
      %add3A_393 = arith.addi %mul3A_392, %gather3A_94 : vector<16xi32>
      %add3A_394 = arith.constant 0 : i32
      %add3A_395 = vector.broadcast %add3A_394 : i32 to vector<16xi32>
      %add3A_396 = arith.addi %iota3A, %add3A_395 : vector<16xi32>
      %add3A_397 = arith.constant 16 : i32
      %add3A_398 = vector.broadcast %add3A_397 : i32 to vector<16xi32>
      %add3A_399 = arith.addi %iota3A, %add3A_398 : vector<16xi32>
      %min3A_400 = arith.constant 23 : i32
      %min3A_401 = vector.broadcast %min3A_400 : i32 to vector<16xi32>
      %min3A_402 = arith.minsi %add3A_399, %min3A_401 : vector<16xi32>
      %mul3A_403 = arith.constant 512 : i32
      %mul3A_404 = vector.broadcast %mul3A_403 : i32 to vector<16xi32>
      %mul3A_405 = arith.muli %min3A_402, %mul3A_404 : vector<16xi32>
      %add3A_406 = vector.broadcast %add3A_66 : i32 to vector<16xi32>
      %add3A_407 = arith.addi %mul3A_405, %add3A_406 : vector<16xi32>
      %gather3A_408 = tpu.vector_load_idx %arg7[%add3A_407] : memref<12288xf32, #tpu.memory_space<vmem>>[vector<16xi32>], vector<16xf32>,
      %add3A_409 = arith.constant 128 : i32
      %add3A_410 = vector.broadcast %add3A_409 : i32 to vector<16xi32>
      %add3A_411 = arith.addi %add3A_407, %add3A_410 : vector<16xi32>
      %gather3A_412 = tpu.vector_load_idx %arg7[%add3A_411] : memref<12288xf32, #tpu.memory_space<vmem>>[vector<16xi32>], vector<16xf32>,
      %add3A_413 = arith.constant 256 : i32
      %add3A_414 = vector.broadcast %add3A_413 : i32 to vector<16xi32>
      %add3A_415 = arith.addi %add3A_407, %add3A_414 : vector<16xi32>
      %gather3A_416 = tpu.vector_load_idx %arg7[%add3A_415] : memref<12288xf32, #tpu.memory_space<vmem>>[vector<16xi32>], vector<16xf32>,
      %add3A_417 = arith.constant 384 : i32
      %add3A_418 = vector.broadcast %add3A_417 : i32 to vector<16xi32>
      %add3A_419 = arith.addi %add3A_407, %add3A_418 : vector<16xi32>
      %gather3A_420 = tpu.vector_load_idx %arg7[%add3A_419] : memref<12288xf32, #tpu.memory_space<vmem>>[vector<16xi32>], vector<16xf32>,
      %mul3A_421 = arith.constant 128 : i32
      %mul3A_422 = vector.broadcast %mul3A_421 : i32 to vector<16xi32>
      %mul3A_423 = arith.muli %min3A_402, %mul3A_422 : vector<16xi32>
      %add3A_424 = vector.broadcast %add3A_66 : i32 to vector<16xi32>
      %add3A_425 = arith.addi %mul3A_423, %add3A_424 : vector<16xi32>
      %gather3A_426 = tpu.vector_load_idx %arg8[%add3A_425] : memref<3072xi32, #tpu.memory_space<vmem>>[vector<16xi32>], vector<16xi32>,
      %lt3A_427 = arith.constant 8 : i32
      %lt3A_428 = vector.broadcast %lt3A_427 : i32 to vector<16xi32>
      %lt3A_429 = arith.cmpi slt, %iota3A, %lt3A_428 : vector<16xi32>
      %add3A_430 = arith.addf %gather3A_408, %gather3A_416 : vector<16xf32>
      %mul3A_431 = arith.constant 5.000000e-01 : f32
      %mul3A_432 = vector.broadcast %mul3A_431 : f32 to vector<16xf32>
      %mul3A_433 = arith.mulf %add3A_430, %mul3A_432 : vector<16xf32>
      %add3A_434 = arith.addf %gather3A_412, %gather3A_420 : vector<16xf32>
      %mul3A_435 = arith.constant 5.000000e-01 : f32
      %mul3A_436 = vector.broadcast %mul3A_435 : f32 to vector<16xf32>
      %mul3A_437 = arith.mulf %add3A_434, %mul3A_436 : vector<16xf32>
      %sub3A_438 = arith.subf %gather3A_416, %gather3A_408 : vector<16xf32>
      %sub3A_439 = arith.subf %gather3A_420, %gather3A_412 : vector<16xf32>
      %mul3A_440 = arith.constant 7.000000e+00 : f32
      %mul3A_441 = vector.broadcast %mul3A_440 : f32 to vector<16xf32>
      %mul3A_442 = arith.mulf %mul3A_433, %mul3A_441 : vector<16xf32>
      %convert_element_type3A_443 = arith.fptosi %mul3A_442 : vector<16xf32> to vector<16xi32>
      %jit3A_444 = arith.constant 0 : i32
      %jit3A_445 = arith.constant 6 : i32
      %max3A_446 = vector.broadcast %jit3A_444 : i32 to vector<16xi32>
      %max3A_447 = arith.maxsi %max3A_446, %convert_element_type3A_443 : vector<16xi32>
      %min3A_448 = vector.broadcast %jit3A_445 : i32 to vector<16xi32>
      %min3A_449 = arith.minsi %min3A_448, %max3A_447 : vector<16xi32>
      %mul3A_450 = arith.constant 7.000000e+00 : f32
      %mul3A_451 = vector.broadcast %mul3A_450 : f32 to vector<16xf32>
      %mul3A_452 = arith.mulf %mul3A_437, %mul3A_451 : vector<16xf32>
      %convert_element_type3A_453 = arith.fptosi %mul3A_452 : vector<16xf32> to vector<16xi32>
      %jit3A_454 = arith.constant 0 : i32
      %jit3A_455 = arith.constant 6 : i32
      %max3A_456 = vector.broadcast %jit3A_454 : i32 to vector<16xi32>
      %max3A_457 = arith.maxsi %max3A_456, %convert_element_type3A_453 : vector<16xi32>
      %min3A_458 = vector.broadcast %jit3A_455 : i32 to vector<16xi32>
      %min3A_459 = arith.minsi %min3A_458, %max3A_457 : vector<16xi32>
      %mul3A_460 = arith.constant 7 : i32
      %mul3A_461 = vector.broadcast %mul3A_460 : i32 to vector<16xi32>
      %mul3A_462 = arith.muli %min3A_459, %mul3A_461 : vector<16xi32>
      %add3A_463 = arith.addi %mul3A_462, %min3A_449 : vector<16xi32>
      %convert_element_type3A_464 = arith.sitofp %min3A_449 : vector<16xi32> to vector<16xf32>
      %convert_element_type3A_465 = arith.sitofp %min3A_459 : vector<16xi32> to vector<16xf32>
      %mul3A_466 = arith.constant 90 : i32
      %mul3A_467 = vector.broadcast %mul3A_466 : i32 to vector<16xi32>
      %mul3A_468 = arith.muli %add3A_463, %mul3A_467 : vector<16xi32>
      %add3A_469 = vector.broadcast %mul3A_63 : i32 to vector<16xi32>
      %add3A_470 = arith.addi %mul3A_468, %add3A_469 : vector<16xi32>
      %add3A_471 = arith.constant 0 : i32
      %add3A_472 = vector.broadcast %add3A_471 : i32 to vector<16xi32>
      %add3A_473 = arith.addi %add3A_470, %add3A_472 : vector<16xi32>
      %gather3A_474 = tpu.vector_load_idx %arg6[%add3A_473] : memref<17640xf32, #tpu.memory_space<vmem>>[vector<16xi32>], vector<16xf32>,
      %add3A_475 = arith.constant 1 : i32
      %add3A_476 = vector.broadcast %add3A_475 : i32 to vector<16xi32>
      %add3A_477 = arith.addi %add3A_470, %add3A_476 : vector<16xi32>
      %gather3A_478 = tpu.vector_load_idx %arg6[%add3A_477] : memref<17640xf32, #tpu.memory_space<vmem>>[vector<16xi32>], vector<16xf32>,
      %add3A_479 = arith.constant 2 : i32
      %add3A_480 = vector.broadcast %add3A_479 : i32 to vector<16xi32>
      %add3A_481 = arith.addi %add3A_470, %add3A_480 : vector<16xi32>
      %gather3A_482 = tpu.vector_load_idx %arg6[%add3A_481] : memref<17640xf32, #tpu.memory_space<vmem>>[vector<16xi32>], vector<16xf32>,
      %add3A_483 = arith.constant 3 : i32
      %add3A_484 = vector.broadcast %add3A_483 : i32 to vector<16xi32>
      %add3A_485 = arith.addi %add3A_470, %add3A_484 : vector<16xi32>
      %gather3A_486 = tpu.vector_load_idx %arg6[%add3A_485] : memref<17640xf32, #tpu.memory_space<vmem>>[vector<16xi32>], vector<16xf32>,
      %add3A_487 = arith.constant 4 : i32
      %add3A_488 = vector.broadcast %add3A_487 : i32 to vector<16xi32>
      %add3A_489 = arith.addi %add3A_470, %add3A_488 : vector<16xi32>
      %gather3A_490 = tpu.vector_load_idx %arg6[%add3A_489] : memref<17640xf32, #tpu.memory_space<vmem>>[vector<16xi32>], vector<16xf32>,
      %add3A_491 = arith.constant 5 : i32
      %add3A_492 = vector.broadcast %add3A_491 : i32 to vector<16xi32>
      %add3A_493 = arith.addi %add3A_470, %add3A_492 : vector<16xi32>
      %gather3A_494 = tpu.vector_load_idx %arg6[%add3A_493] : memref<17640xf32, #tpu.memory_space<vmem>>[vector<16xi32>], vector<16xf32>,
      %add3A_495 = arith.constant 6 : i32
      %add3A_496 = vector.broadcast %add3A_495 : i32 to vector<16xi32>
      %add3A_497 = arith.addi %add3A_470, %add3A_496 : vector<16xi32>
      %gather3A_498 = tpu.vector_load_idx %arg6[%add3A_497] : memref<17640xf32, #tpu.memory_space<vmem>>[vector<16xi32>], vector<16xf32>,
      %add3A_499 = arith.constant 7 : i32
      %add3A_500 = vector.broadcast %add3A_499 : i32 to vector<16xi32>
      %add3A_501 = arith.addi %add3A_470, %add3A_500 : vector<16xi32>
      %gather3A_502 = tpu.vector_load_idx %arg6[%add3A_501] : memref<17640xf32, #tpu.memory_space<vmem>>[vector<16xi32>], vector<16xf32>,
      %add3A_503 = arith.constant 8 : i32
      %add3A_504 = vector.broadcast %add3A_503 : i32 to vector<16xi32>
      %add3A_505 = arith.addi %add3A_470, %add3A_504 : vector<16xi32>
      %gather3A_506 = tpu.vector_load_idx %arg6[%add3A_505] : memref<17640xf32, #tpu.memory_space<vmem>>[vector<16xi32>], vector<16xf32>,
      %add3A_507 = arith.constant 9 : i32
      %add3A_508 = vector.broadcast %add3A_507 : i32 to vector<16xi32>
      %add3A_509 = arith.addi %add3A_470, %add3A_508 : vector<16xi32>
      %gather3A_510 = tpu.vector_load_idx %arg6[%add3A_509] : memref<17640xf32, #tpu.memory_space<vmem>>[vector<16xi32>], vector<16xf32>,
      %max3A_511 = arith.constant 0.000000e+00 : f32
      %max3A_512 = vector.broadcast %max3A_511 : f32 to vector<16xf32>
      %max3A_513 = arith.maximumf %sub3A_438, %max3A_512 : vector<16xf32>
      %max3A_514 = arith.constant 0.000000e+00 : f32
      %max3A_515 = vector.broadcast %max3A_514 : f32 to vector<16xf32>
      %max3A_516 = arith.maximumf %sub3A_439, %max3A_515 : vector<16xf32>
      %mul3A_517 = arith.mulf %max3A_513, %max3A_516 : vector<16xf32>
      %add3A_518 = arith.addf %gather3A_474, %convert_element_type3A_464 : vector<16xf32>
      %div3A_519 = arith.constant 7.000000e+00 : f32
      %div3A_520 = vector.broadcast %div3A_519 : f32 to vector<16xf32>
      %div3A_521 = arith.divf %add3A_518, %div3A_520 : vector<16xf32>
      %add3A_522 = arith.addf %gather3A_478, %convert_element_type3A_465 : vector<16xf32>
      %div3A_523 = arith.constant 7.000000e+00 : f32
      %div3A_524 = vector.broadcast %div3A_523 : f32 to vector<16xf32>
      %div3A_525 = arith.divf %add3A_522, %div3A_524 : vector<16xf32>
      %mul3A_526 = arith.mulf %gather3A_482, %gather3A_482 : vector<16xf32>
      %mul3A_527 = arith.mulf %gather3A_486, %gather3A_486 : vector<16xf32>
      %mul3A_528 = arith.constant 5.000000e-01 : f32
      %mul3A_529 = vector.broadcast %mul3A_528 : f32 to vector<16xf32>
      %mul3A_530 = arith.mulf %mul3A_526, %mul3A_529 : vector<16xf32>
      %sub3A_531 = arith.subf %div3A_521, %mul3A_530 : vector<16xf32>
      %mul3A_532 = arith.constant 5.000000e-01 : f32
      %mul3A_533 = vector.broadcast %mul3A_532 : f32 to vector<16xf32>
      %mul3A_534 = arith.mulf %mul3A_527, %mul3A_533 : vector<16xf32>
      %sub3A_535 = arith.subf %div3A_525, %mul3A_534 : vector<16xf32>
      %mul3A_536 = arith.constant 5.000000e-01 : f32
      %mul3A_537 = vector.broadcast %mul3A_536 : f32 to vector<16xf32>
      %mul3A_538 = arith.mulf %mul3A_526, %mul3A_537 : vector<16xf32>
      %add3A_539 = arith.addf %div3A_521, %mul3A_538 : vector<16xf32>
      %mul3A_540 = arith.constant 5.000000e-01 : f32
      %mul3A_541 = vector.broadcast %mul3A_540 : f32 to vector<16xf32>
      %mul3A_542 = arith.mulf %mul3A_527, %mul3A_541 : vector<16xf32>
      %add3A_543 = arith.addf %div3A_525, %mul3A_542 : vector<16xf32>
      %max3A_544 = arith.maximumf %sub3A_531, %gather3A_408 : vector<16xf32>
      %max3A_545 = arith.maximumf %sub3A_535, %gather3A_412 : vector<16xf32>
      %min3A_546 = arith.minimumf %add3A_539, %gather3A_416 : vector<16xf32>
      %min3A_547 = arith.minimumf %add3A_543, %gather3A_420 : vector<16xf32>
      %sub3A_548 = arith.subf %min3A_546, %max3A_544 : vector<16xf32>
      %max3A_549 = arith.constant 0.000000e+00 : f32
      %max3A_550 = vector.broadcast %max3A_549 : f32 to vector<16xf32>
      %max3A_551 = arith.maximumf %sub3A_548, %max3A_550 : vector<16xf32>
      %sub3A_552 = arith.subf %min3A_547, %max3A_545 : vector<16xf32>
      %max3A_553 = arith.constant 0.000000e+00 : f32
      %max3A_554 = vector.broadcast %max3A_553 : f32 to vector<16xf32>
      %max3A_555 = arith.maximumf %sub3A_552, %max3A_554 : vector<16xf32>
      %mul3A_556 = arith.mulf %max3A_551, %max3A_555 : vector<16xf32>
      %sub3A_557 = arith.subf %add3A_539, %sub3A_531 : vector<16xf32>
      %max3A_558 = arith.constant 0.000000e+00 : f32
      %max3A_559 = vector.broadcast %max3A_558 : f32 to vector<16xf32>
      %max3A_560 = arith.maximumf %sub3A_557, %max3A_559 : vector<16xf32>
      %sub3A_561 = arith.subf %add3A_543, %sub3A_535 : vector<16xf32>
      %max3A_562 = arith.constant 0.000000e+00 : f32
      %max3A_563 = vector.broadcast %max3A_562 : f32 to vector<16xf32>
      %max3A_564 = arith.maximumf %sub3A_561, %max3A_563 : vector<16xf32>
      %mul3A_565 = arith.mulf %max3A_560, %max3A_564 : vector<16xf32>
      %add3A_566 = arith.addf %mul3A_565, %mul3A_517 : vector<16xf32>
      %sub3A_567 = arith.subf %add3A_566, %mul3A_556 : vector<16xf32>
      %add3A_568 = arith.constant 9.99999997E-7 : f32
      %add3A_569 = vector.broadcast %add3A_568 : f32 to vector<16xf32>
      %add3A_570 = arith.addf %sub3A_567, %add3A_569 : vector<16xf32>
      %div3A_571 = arith.divf %mul3A_556, %add3A_570 : vector<16xf32>
      %add3A_572 = arith.addf %gather3A_494, %convert_element_type3A_464 : vector<16xf32>
      %div3A_573 = arith.constant 7.000000e+00 : f32
      %div3A_574 = vector.broadcast %div3A_573 : f32 to vector<16xf32>
      %div3A_575 = arith.divf %add3A_572, %div3A_574 : vector<16xf32>
      %add3A_576 = arith.addf %gather3A_498, %convert_element_type3A_465 : vector<16xf32>
      %div3A_577 = arith.constant 7.000000e+00 : f32
      %div3A_578 = vector.broadcast %div3A_577 : f32 to vector<16xf32>
      %div3A_579 = arith.divf %add3A_576, %div3A_578 : vector<16xf32>
      %mul3A_580 = arith.mulf %gather3A_502, %gather3A_502 : vector<16xf32>
      %mul3A_581 = arith.mulf %gather3A_506, %gather3A_506 : vector<16xf32>
      %mul3A_582 = arith.constant 5.000000e-01 : f32
      %mul3A_583 = vector.broadcast %mul3A_582 : f32 to vector<16xf32>
      %mul3A_584 = arith.mulf %mul3A_580, %mul3A_583 : vector<16xf32>
      %sub3A_585 = arith.subf %div3A_575, %mul3A_584 : vector<16xf32>
      %mul3A_586 = arith.constant 5.000000e-01 : f32
      %mul3A_587 = vector.broadcast %mul3A_586 : f32 to vector<16xf32>
      %mul3A_588 = arith.mulf %mul3A_581, %mul3A_587 : vector<16xf32>
      %sub3A_589 = arith.subf %div3A_579, %mul3A_588 : vector<16xf32>
      %mul3A_590 = arith.constant 5.000000e-01 : f32
      %mul3A_591 = vector.broadcast %mul3A_590 : f32 to vector<16xf32>
      %mul3A_592 = arith.mulf %mul3A_580, %mul3A_591 : vector<16xf32>
      %add3A_593 = arith.addf %div3A_575, %mul3A_592 : vector<16xf32>
      %mul3A_594 = arith.constant 5.000000e-01 : f32
      %mul3A_595 = vector.broadcast %mul3A_594 : f32 to vector<16xf32>
      %mul3A_596 = arith.mulf %mul3A_581, %mul3A_595 : vector<16xf32>
      %add3A_597 = arith.addf %div3A_579, %mul3A_596 : vector<16xf32>
      %max3A_598 = arith.maximumf %sub3A_585, %gather3A_408 : vector<16xf32>
      %max3A_599 = arith.maximumf %sub3A_589, %gather3A_412 : vector<16xf32>
      %min3A_600 = arith.minimumf %add3A_593, %gather3A_416 : vector<16xf32>
      %min3A_601 = arith.minimumf %add3A_597, %gather3A_420 : vector<16xf32>
      %sub3A_602 = arith.subf %min3A_600, %max3A_598 : vector<16xf32>
      %max3A_603 = arith.constant 0.000000e+00 : f32
      %max3A_604 = vector.broadcast %max3A_603 : f32 to vector<16xf32>
      %max3A_605 = arith.maximumf %sub3A_602, %max3A_604 : vector<16xf32>
      %sub3A_606 = arith.subf %min3A_601, %max3A_599 : vector<16xf32>
      %max3A_607 = arith.constant 0.000000e+00 : f32
      %max3A_608 = vector.broadcast %max3A_607 : f32 to vector<16xf32>
      %max3A_609 = arith.maximumf %sub3A_606, %max3A_608 : vector<16xf32>
      %mul3A_610 = arith.mulf %max3A_605, %max3A_609 : vector<16xf32>
      %sub3A_611 = arith.subf %add3A_593, %sub3A_585 : vector<16xf32>
      %max3A_612 = arith.constant 0.000000e+00 : f32
      %max3A_613 = vector.broadcast %max3A_612 : f32 to vector<16xf32>
      %max3A_614 = arith.maximumf %sub3A_611, %max3A_613 : vector<16xf32>
      %sub3A_615 = arith.subf %add3A_597, %sub3A_589 : vector<16xf32>
      %max3A_616 = arith.constant 0.000000e+00 : f32
      %max3A_617 = vector.broadcast %max3A_616 : f32 to vector<16xf32>
      %max3A_618 = arith.maximumf %sub3A_615, %max3A_617 : vector<16xf32>
      %mul3A_619 = arith.mulf %max3A_614, %max3A_618 : vector<16xf32>
      %add3A_620 = arith.addf %mul3A_619, %mul3A_517 : vector<16xf32>
      %sub3A_621 = arith.subf %add3A_620, %mul3A_610 : vector<16xf32>
      %add3A_622 = arith.constant 9.99999997E-7 : f32
      %add3A_623 = vector.broadcast %add3A_622 : f32 to vector<16xf32>
      %add3A_624 = arith.addf %sub3A_621, %add3A_623 : vector<16xf32>
      %div3A_625 = arith.divf %mul3A_610, %add3A_624 : vector<16xf32>
      %gt3A_626 = arith.cmpf ogt, %div3A_625, %div3A_571 : vector<16xf32>
      %select_n3A_627 = arith.select %gt3A_626, %div3A_625, %div3A_571 : vector<16xi1>, vector<16xf32>
      %select_n3A_628 = arith.select %gt3A_626, %gather3A_494, %gather3A_474 : vector<16xi1>, vector<16xf32>
      %select_n3A_629 = arith.select %gt3A_626, %gather3A_498, %gather3A_478 : vector<16xi1>, vector<16xf32>
      %select_n3A_630 = arith.select %gt3A_626, %gather3A_502, %gather3A_482 : vector<16xi1>, vector<16xf32>
      %select_n3A_631 = arith.select %gt3A_626, %gather3A_506, %gather3A_486 : vector<16xi1>, vector<16xf32>
      %select_n3A_632 = arith.select %gt3A_626, %gather3A_510, %gather3A_490 : vector<16xi1>, vector<16xf32>
      %mul3A_633 = arith.constant 7.000000e+00 : f32
      %mul3A_634 = vector.broadcast %mul3A_633 : f32 to vector<16xf32>
      %mul3A_635 = arith.mulf %mul3A_433, %mul3A_634 : vector<16xf32>
      %sub3A_636 = arith.subf %mul3A_635, %convert_element_type3A_464 : vector<16xf32>
      %mul3A_637 = arith.constant 7.000000e+00 : f32
      %mul3A_638 = vector.broadcast %mul3A_637 : f32 to vector<16xf32>
      %mul3A_639 = arith.mulf %mul3A_437, %mul3A_638 : vector<16xf32>
      %sub3A_640 = arith.subf %mul3A_639, %convert_element_type3A_465 : vector<16xf32>
      %add3A_641 = arith.constant 1.000000e+00 : f32
      %add3A_642 = vector.broadcast %add3A_641 : f32 to vector<16xf32>
      %add3A_643 = arith.addf %sub3A_438, %add3A_642 : vector<16xf32>
      %mul3A_644 = arith.constant 5.000000e-01 : f32
      %mul3A_645 = vector.broadcast %mul3A_644 : f32 to vector<16xf32>
      %mul3A_646 = arith.mulf %add3A_643, %mul3A_645 : vector<16xf32>
      %div3A_647 = arith.divf %sub3A_438, %mul3A_646 : vector<16xf32>
      %add3A_648 = arith.addf %mul3A_646, %div3A_647 : vector<16xf32>
      %mul3A_649 = arith.constant 5.000000e-01 : f32
      %mul3A_650 = vector.broadcast %mul3A_649 : f32 to vector<16xf32>
      %mul3A_651 = arith.mulf %mul3A_650, %add3A_648 : vector<16xf32>
      %div3A_652 = arith.divf %sub3A_438, %mul3A_651 : vector<16xf32>
      %add3A_653 = arith.addf %mul3A_651, %div3A_652 : vector<16xf32>
      %mul3A_654 = arith.constant 5.000000e-01 : f32
      %mul3A_655 = vector.broadcast %mul3A_654 : f32 to vector<16xf32>
      %mul3A_656 = arith.mulf %mul3A_655, %add3A_653 : vector<16xf32>
      %div3A_657 = arith.divf %sub3A_438, %mul3A_656 : vector<16xf32>
      %add3A_658 = arith.addf %mul3A_656, %div3A_657 : vector<16xf32>
      %mul3A_659 = arith.constant 5.000000e-01 : f32
      %mul3A_660 = vector.broadcast %mul3A_659 : f32 to vector<16xf32>
      %mul3A_661 = arith.mulf %mul3A_660, %add3A_658 : vector<16xf32>
      %div3A_662 = arith.divf %sub3A_438, %mul3A_661 : vector<16xf32>
      %add3A_663 = arith.addf %mul3A_661, %div3A_662 : vector<16xf32>
      %mul3A_664 = arith.constant 5.000000e-01 : f32
      %mul3A_665 = vector.broadcast %mul3A_664 : f32 to vector<16xf32>
      %mul3A_666 = arith.mulf %mul3A_665, %add3A_663 : vector<16xf32>
      %div3A_667 = arith.divf %sub3A_438, %mul3A_666 : vector<16xf32>
      %add3A_668 = arith.addf %mul3A_666, %div3A_667 : vector<16xf32>
      %mul3A_669 = arith.constant 5.000000e-01 : f32
      %mul3A_670 = vector.broadcast %mul3A_669 : f32 to vector<16xf32>
      %mul3A_671 = arith.mulf %mul3A_670, %add3A_668 : vector<16xf32>
      %div3A_672 = arith.divf %sub3A_438, %mul3A_671 : vector<16xf32>
      %add3A_673 = arith.addf %mul3A_671, %div3A_672 : vector<16xf32>
      %mul3A_674 = arith.constant 5.000000e-01 : f32
      %mul3A_675 = vector.broadcast %mul3A_674 : f32 to vector<16xf32>
      %mul3A_676 = arith.mulf %mul3A_675, %add3A_673 : vector<16xf32>
      %add3A_677 = arith.constant 1.000000e+00 : f32
      %add3A_678 = vector.broadcast %add3A_677 : f32 to vector<16xf32>
      %add3A_679 = arith.addf %sub3A_439, %add3A_678 : vector<16xf32>
      %mul3A_680 = arith.constant 5.000000e-01 : f32
      %mul3A_681 = vector.broadcast %mul3A_680 : f32 to vector<16xf32>
      %mul3A_682 = arith.mulf %add3A_679, %mul3A_681 : vector<16xf32>
      %div3A_683 = arith.divf %sub3A_439, %mul3A_682 : vector<16xf32>
      %add3A_684 = arith.addf %mul3A_682, %div3A_683 : vector<16xf32>
      %mul3A_685 = arith.constant 5.000000e-01 : f32
      %mul3A_686 = vector.broadcast %mul3A_685 : f32 to vector<16xf32>
      %mul3A_687 = arith.mulf %mul3A_686, %add3A_684 : vector<16xf32>
      %div3A_688 = arith.divf %sub3A_439, %mul3A_687 : vector<16xf32>
      %add3A_689 = arith.addf %mul3A_687, %div3A_688 : vector<16xf32>
      %mul3A_690 = arith.constant 5.000000e-01 : f32
      %mul3A_691 = vector.broadcast %mul3A_690 : f32 to vector<16xf32>
      %mul3A_692 = arith.mulf %mul3A_691, %add3A_689 : vector<16xf32>
      %div3A_693 = arith.divf %sub3A_439, %mul3A_692 : vector<16xf32>
      %add3A_694 = arith.addf %mul3A_692, %div3A_693 : vector<16xf32>
      %mul3A_695 = arith.constant 5.000000e-01 : f32
      %mul3A_696 = vector.broadcast %mul3A_695 : f32 to vector<16xf32>
      %mul3A_697 = arith.mulf %mul3A_696, %add3A_694 : vector<16xf32>
      %div3A_698 = arith.divf %sub3A_439, %mul3A_697 : vector<16xf32>
      %add3A_699 = arith.addf %mul3A_697, %div3A_698 : vector<16xf32>
      %mul3A_700 = arith.constant 5.000000e-01 : f32
      %mul3A_701 = vector.broadcast %mul3A_700 : f32 to vector<16xf32>
      %mul3A_702 = arith.mulf %mul3A_701, %add3A_699 : vector<16xf32>
      %div3A_703 = arith.divf %sub3A_439, %mul3A_702 : vector<16xf32>
      %add3A_704 = arith.addf %mul3A_702, %div3A_703 : vector<16xf32>
      %mul3A_705 = arith.constant 5.000000e-01 : f32
      %mul3A_706 = vector.broadcast %mul3A_705 : f32 to vector<16xf32>
      %mul3A_707 = arith.mulf %mul3A_706, %add3A_704 : vector<16xf32>
      %div3A_708 = arith.divf %sub3A_439, %mul3A_707 : vector<16xf32>
      %add3A_709 = arith.addf %mul3A_707, %div3A_708 : vector<16xf32>
      %mul3A_710 = arith.constant 5.000000e-01 : f32
      %mul3A_711 = vector.broadcast %mul3A_710 : f32 to vector<16xf32>
      %mul3A_712 = arith.mulf %mul3A_711, %add3A_709 : vector<16xf32>
      %sub3A_713 = arith.subf %select_n3A_628, %sub3A_636 : vector<16xf32>
      %sub3A_714 = arith.subf %select_n3A_629, %sub3A_640 : vector<16xf32>
      %sub3A_715 = arith.subf %select_n3A_630, %mul3A_676 : vector<16xf32>
      %sub3A_716 = arith.subf %select_n3A_631, %mul3A_712 : vector<16xf32>
      %mul3A_717 = arith.mulf %sub3A_713, %sub3A_713 : vector<16xf32>
      %mul3A_718 = arith.mulf %sub3A_714, %sub3A_714 : vector<16xf32>
      %add3A_719 = arith.addf %mul3A_717, %mul3A_718 : vector<16xf32>
      %mul3A_720 = arith.mulf %sub3A_715, %sub3A_715 : vector<16xf32>
      %add3A_721 = arith.addf %add3A_719, %mul3A_720 : vector<16xf32>
      %mul3A_722 = arith.mulf %sub3A_716, %sub3A_716 : vector<16xf32>
      %add3A_723 = arith.addf %add3A_721, %mul3A_722 : vector<16xf32>
      %mul3A_724 = arith.constant 2 : i32
      %mul3A_725 = vector.broadcast %mul3A_724 : i32 to vector<16xi32>
      %mul3A_726 = arith.muli %add3A_463, %mul3A_725 : vector<16xi32>
      %convert_element_type3A_727 = arith.extui %gt3A_626 : vector<16xi1> to vector<16xi32>
      %add3A_728 = arith.addi %mul3A_726, %convert_element_type3A_727 : vector<16xi32>
      %mul3A_729 = arith.constant 80 : i32
      %mul3A_730 = vector.broadcast %mul3A_729 : i32 to vector<16xi32>
      %mul3A_731 = arith.muli %add3A_463, %mul3A_730 : vector<16xi32>
      %add3A_732 = arith.addi %mul3A_731, %gather3A_426 : vector<16xi32>
      %add3A_733 = arith.constant 16 : i32
      %add3A_734 = vector.broadcast %add3A_733 : i32 to vector<16xi32>
      %add3A_735 = arith.addi %iota3A, %add3A_734 : vector<16xi32>
      %broadcast_in_dim3A_736 = arith.constant false
      %broadcast_in_dim3A_737 = vector.broadcast %broadcast_in_dim3A_736 : i1 to vector<16xi1>
      %scan3A_738 = arith.constant 0 : i32
      %scan3A_739 = arith.constant 24 : i32
      %scan3A_740 = arith.addi %scan3A_738, %scan3A_739 : i32
      %scan3A_741 = arith.constant 1 : i32
      %scan3A_742:6 = scf.for %scan3A_1027 = %scan3A_738 to %scan3A_740 step %scan3A_741 iter_args(%scan3A_1028 = %broadcast_in_dim3A_737, %scan3A_1029 = %broadcast_in_dim3A_737, %scan3A_1030 = %broadcast_in_dim3A_737, %scan3A_1031 = %broadcast_in_dim3A_737, %scan3A_1032 = %broadcast_in_dim3A_737, %scan3A_1033 = %broadcast_in_dim3A_737) -> (vector<16xi1>, vector<16xi1>, vector<16xi1>, vector<16xi1>, vector<16xi1>, vector<16xi1>)  : i32 {
        %lt3A_1034 = arith.constant 16 : i32
        %lt3A_1035 = arith.cmpi slt, %scan3A_1027, %lt3A_1034 : i32
        %sub3A_1036 = arith.constant 16 : i32
        %sub3A_1037 = arith.subi %scan3A_1027, %sub3A_1036 : i32
        %select_n3A_1038 = arith.select %lt3A_1035, %scan3A_1027, %sub3A_1037 : i32
        %lt3A_1039 = arith.constant 16 : i32
        %lt3A_1040 = arith.cmpi slt, %scan3A_1027, %lt3A_1039 : i32
        %eq3A_1041 = vector.broadcast %select_n3A_1038 : i32 to vector<16xi32>
        %eq3A_1042 = arith.cmpi eq, %iota3A, %eq3A_1041 : vector<16xi32>
        %select_n3A_1043 = arith.select %lt3A_1040, %add3A_389, %add3A_728 : vector<16xi32>
        %jit3A_1044 = arith.constant 0 : i32
        %broadcast_in_dim3A_1045 = vector.broadcast %jit3A_1044 : i32 to vector<16xi32>
        %select_n3A_1046 = arith.select %eq3A_1042, %select_n3A_1043, %broadcast_in_dim3A_1045 : vector<16xi1>, vector<16xi32>
        %reduce_max3A = arith.constant true
        %reduce_max3A_1047 = vector.broadcast %reduce_max3A : i1 to vector<16xi1>
        %reduce_max3A_1048 = arith.constant -2147483648 : i32
        %reduce_max3A_1049 = vector.broadcast %reduce_max3A_1048 : i32 to vector<16xi32>
        %reduce_max3A_1050 = arith.xori %select_n3A_1046, %reduce_max3A_1049 : vector<16xi32>
        %reduce_max3A_1051 = tpu.scan <max>, %reduce_max3A_1050 masked %reduce_max3A_1047 : vector<16xi32>, vector<16xi1> -> vector<16xi32>
        %reduce_max3A_1052 = arith.xori %reduce_max3A_1051, %reduce_max3A_1049 : vector<16xi32>
        %reduce_max3A_1053 = vector.extract %reduce_max3A_1052[15] : i32 from vector<16xi32>
        %select_n3A_1054 = arith.select %lt3A_1040, %add3A_393, %add3A_732 : vector<16xi32>
        %jit3A_1055 = arith.constant 0 : i32
        %broadcast_in_dim3A_1056 = vector.broadcast %jit3A_1055 : i32 to vector<16xi32>
        %select_n3A_1057 = arith.select %eq3A_1042, %select_n3A_1054, %broadcast_in_dim3A_1056 : vector<16xi1>, vector<16xi32>
        %reduce_max3A_1058 = arith.constant true
        %reduce_max3A_1059 = vector.broadcast %reduce_max3A_1058 : i1 to vector<16xi1>
        %reduce_max3A_1060 = arith.constant -2147483648 : i32
        %reduce_max3A_1061 = vector.broadcast %reduce_max3A_1060 : i32 to vector<16xi32>
        %reduce_max3A_1062 = arith.xori %select_n3A_1057, %reduce_max3A_1061 : vector<16xi32>
        %reduce_max3A_1063 = tpu.scan <max>, %reduce_max3A_1062 masked %reduce_max3A_1059 : vector<16xi32>, vector<16xi1> -> vector<16xi32>
        %reduce_max3A_1064 = arith.xori %reduce_max3A_1063, %reduce_max3A_1061 : vector<16xi32>
        %reduce_max3A_1065 = vector.extract %reduce_max3A_1064[15] : i32 from vector<16xi32>
        %select_n3A_1066 = arith.select %lt3A_1040, %add3A_126, %add3A_463 : vector<16xi32>
        %jit3A_1067 = arith.constant 0 : i32
        %broadcast_in_dim3A_1068 = vector.broadcast %jit3A_1067 : i32 to vector<16xi32>
        %select_n3A_1069 = arith.select %eq3A_1042, %select_n3A_1066, %broadcast_in_dim3A_1068 : vector<16xi1>, vector<16xi32>
        %reduce_max3A_1070 = arith.constant true
        %reduce_max3A_1071 = vector.broadcast %reduce_max3A_1070 : i1 to vector<16xi1>
        %reduce_max3A_1072 = arith.constant -2147483648 : i32
        %reduce_max3A_1073 = vector.broadcast %reduce_max3A_1072 : i32 to vector<16xi32>
        %reduce_max3A_1074 = arith.xori %select_n3A_1069, %reduce_max3A_1073 : vector<16xi32>
        %reduce_max3A_1075 = tpu.scan <max>, %reduce_max3A_1074 masked %reduce_max3A_1071 : vector<16xi32>, vector<16xi1> -> vector<16xi32>
        %reduce_max3A_1076 = arith.xori %reduce_max3A_1075, %reduce_max3A_1073 : vector<16xi32>
        %reduce_max3A_1077 = vector.extract %reduce_max3A_1076[15] : i32 from vector<16xi32>
        %eq3A_1078 = vector.broadcast %reduce_max3A_1053 : i32 to vector<16xi32>
        %eq3A_1079 = arith.cmpi eq, %add3A_389, %eq3A_1078 : vector<16xi32>
        %lt3A_1080 = vector.broadcast %scan3A_1027 : i32 to vector<16xi32>
        %lt3A_1081 = arith.cmpi slt, %add3A_396, %lt3A_1080 : vector<16xi32>
        %and3A_1082 = arith.andi %eq3A_1079, %lt3A_1081 : vector<16xi1>
        %or3A = arith.ori %scan3A_1028, %and3A_1082 : vector<16xi1>
        %eq3A_1083 = vector.broadcast %reduce_max3A_1053 : i32 to vector<16xi32>
        %eq3A_1084 = arith.cmpi eq, %add3A_728, %eq3A_1083 : vector<16xi32>
        %lt3A_1085 = vector.broadcast %scan3A_1027 : i32 to vector<16xi32>
        %lt3A_1086 = arith.cmpi slt, %add3A_735, %lt3A_1085 : vector<16xi32>
        %and3A_1087 = arith.andi %eq3A_1084, %lt3A_1086 : vector<16xi1>
        %or3A_1088 = arith.ori %scan3A_1029, %and3A_1087 : vector<16xi1>
        %eq3A_1089 = vector.broadcast %reduce_max3A_1065 : i32 to vector<16xi32>
        %eq3A_1090 = arith.cmpi eq, %add3A_393, %eq3A_1089 : vector<16xi32>
        %gt3A_1091 = vector.broadcast %scan3A_1027 : i32 to vector<16xi32>
        %gt3A_1092 = arith.cmpi sgt, %add3A_396, %gt3A_1091 : vector<16xi32>
        %and3A_1093 = arith.andi %eq3A_1090, %gt3A_1092 : vector<16xi1>
        %or3A_1094 = arith.ori %scan3A_1030, %and3A_1093 : vector<16xi1>
        %eq3A_1095 = vector.broadcast %reduce_max3A_1065 : i32 to vector<16xi32>
        %eq3A_1096 = arith.cmpi eq, %add3A_732, %eq3A_1095 : vector<16xi32>
        %gt3A_1097 = vector.broadcast %scan3A_1027 : i32 to vector<16xi32>
        %gt3A_1098 = arith.cmpi sgt, %add3A_735, %gt3A_1097 : vector<16xi32>
        %and3A_1099 = arith.andi %eq3A_1096, %gt3A_1098 : vector<16xi1>
        %or3A_1100 = arith.ori %scan3A_1031, %and3A_1099 : vector<16xi1>
        %eq3A_1101 = vector.broadcast %reduce_max3A_1077 : i32 to vector<16xi32>
        %eq3A_1102 = arith.cmpi eq, %add3A_126, %eq3A_1101 : vector<16xi32>
        %gt3A_1103 = vector.broadcast %scan3A_1027 : i32 to vector<16xi32>
        %gt3A_1104 = arith.cmpi sgt, %add3A_396, %gt3A_1103 : vector<16xi32>
        %and3A_1105 = arith.andi %eq3A_1102, %gt3A_1104 : vector<16xi1>
        %or3A_1106 = arith.ori %scan3A_1032, %and3A_1105 : vector<16xi1>
        %eq3A_1107 = vector.broadcast %reduce_max3A_1077 : i32 to vector<16xi32>
        %eq3A_1108 = arith.cmpi eq, %add3A_463, %eq3A_1107 : vector<16xi32>
        %gt3A_1109 = vector.broadcast %scan3A_1027 : i32 to vector<16xi32>
        %gt3A_1110 = arith.cmpi sgt, %add3A_735, %gt3A_1109 : vector<16xi32>
        %and3A_1111 = arith.andi %eq3A_1108, %gt3A_1110 : vector<16xi1>
        %or3A_1112 = arith.ori %scan3A_1033, %and3A_1111 : vector<16xi1>
        scf.yield %or3A, %or3A_1088, %or3A_1094, %or3A_1100, %or3A_1106, %or3A_1112 : vector<16xi1>, vector<16xi1>, vector<16xi1>, vector<16xi1>, vector<16xi1>, vector<16xi1>
      }
      %scan3A_743 = arith.constant 24 : i32
      %not3A = arith.constant dense<true> : vector<16xi1>
      %not3A_744 = arith.xori %scan3A_742#0, %not3A : vector<16xi1>
      %and3A = arith.andi %lt3A_96, %not3A_744 : vector<16xi1>
      %not3A_745 = arith.constant dense<true> : vector<16xi1>
      %not3A_746 = arith.xori %scan3A_742#1, %not3A_745 : vector<16xi1>
      %and3A_747 = arith.andi %lt3A_429, %not3A_746 : vector<16xi1>
      %not3A_748 = arith.constant dense<true> : vector<16xi1>
      %not3A_749 = arith.xori %scan3A_742#2, %not3A_748 : vector<16xi1>
      %and3A_750 = arith.andi %lt3A_96, %not3A_749 : vector<16xi1>
      %not3A_751 = arith.constant dense<true> : vector<16xi1>
      %not3A_752 = arith.xori %scan3A_742#3, %not3A_751 : vector<16xi1>
      %and3A_753 = arith.andi %lt3A_429, %not3A_752 : vector<16xi1>
      %not3A_754 = arith.constant dense<true> : vector<16xi1>
      %not3A_755 = arith.xori %scan3A_742#4, %not3A_754 : vector<16xi1>
      %and3A_756 = arith.andi %lt3A_96, %not3A_755 : vector<16xi1>
      %not3A_757 = arith.constant dense<true> : vector<16xi1>
      %not3A_758 = arith.xori %scan3A_742#5, %not3A_757 : vector<16xi1>
      %and3A_759 = arith.andi %lt3A_429, %not3A_758 : vector<16xi1>
      %select_n3A_760 = arith.select %and3A, %add3A_384, %broadcast_in_dim3A_3 : vector<16xi1>, vector<16xf32>
      %reduce_sum3A = arith.constant true
      %reduce_sum3A_761 = vector.broadcast %reduce_sum3A : i1 to vector<16xi1>
      %reduce_sum3A_762 = tpu.scan <sum>, %select_n3A_760 masked %reduce_sum3A_761 : vector<16xf32>, vector<16xi1> -> vector<16xf32>
      %reduce_sum3A_763 = vector.extract %reduce_sum3A_762[15] : f32 from vector<16xf32>
      %add3A_764 = arith.addf %scan3A_55, %reduce_sum3A_763 : f32
      %sub3A_765 = arith.subf %select_n3A_293, %select_n3A_288 : vector<16xf32>
      %mul3A_766 = arith.mulf %sub3A_765, %sub3A_765 : vector<16xf32>
      %select_n3A_767 = arith.select %and3A, %mul3A_766, %broadcast_in_dim3A_3 : vector<16xi1>, vector<16xf32>
      %reduce_sum3A_768 = arith.constant true
      %reduce_sum3A_769 = vector.broadcast %reduce_sum3A_768 : i1 to vector<16xi1>
      %reduce_sum3A_770 = tpu.scan <sum>, %select_n3A_767 masked %reduce_sum3A_769 : vector<16xf32>, vector<16xi1> -> vector<16xf32>
      %reduce_sum3A_771 = vector.extract %reduce_sum3A_770[15] : f32 from vector<16xf32>
      %add3A_772 = arith.addf %scan3A_56, %reduce_sum3A_771 : f32
      %mul3A_773 = arith.mulf %select_n3A_293, %select_n3A_293 : vector<16xf32>
      %select_n3A_774 = arith.select %and3A, %mul3A_773, %broadcast_in_dim3A_3 : vector<16xi1>, vector<16xf32>
      %reduce_sum3A_775 = arith.constant true
      %reduce_sum3A_776 = vector.broadcast %reduce_sum3A_775 : i1 to vector<16xi1>
      %reduce_sum3A_777 = tpu.scan <sum>, %select_n3A_774 masked %reduce_sum3A_776 : vector<16xf32>, vector<16xi1> -> vector<16xf32>
      %reduce_sum3A_778 = vector.extract %reduce_sum3A_777[15] : f32 from vector<16xf32>
      %add3A_779 = arith.addf %scan3A_57, %reduce_sum3A_778 : f32
      %mul3A_780 = arith.constant 90 : i32
      %mul3A_781 = vector.broadcast %mul3A_780 : i32 to vector<16xi32>
      %mul3A_782 = arith.muli %add3A_126, %mul3A_781 : vector<16xi32>
      %add3A_783 = vector.broadcast %mul3A_63 : i32 to vector<16xi32>
      %add3A_784 = arith.addi %add3A_783, %mul3A_782 : vector<16xi32>
      %add3A_785 = arith.constant 10 : i32
      %add3A_786 = vector.broadcast %add3A_785 : i32 to vector<16xi32>
      %add3A_787 = arith.addi %add3A_784, %add3A_786 : vector<16xi32>
      %add3A_788 = arith.addi %add3A_787, %gather3A_94 : vector<16xi32>
      %gather3A_789 = tpu.vector_load_idx %arg6[%add3A_788] : memref<17640xf32, #tpu.memory_space<vmem>>[vector<16xi32>], vector<16xf32>,
      %select_n3A_790 = arith.select %and3A_750, %gather3A_789, %broadcast_in_dim3A_3 : vector<16xi1>, vector<16xf32>
      %reduce_sum3A_791 = arith.constant true
      %reduce_sum3A_792 = vector.broadcast %reduce_sum3A_791 : i1 to vector<16xi1>
      %reduce_sum3A_793 = tpu.scan <sum>, %select_n3A_790 masked %reduce_sum3A_792 : vector<16xf32>, vector<16xi1> -> vector<16xf32>
      %reduce_sum3A_794 = vector.extract %reduce_sum3A_793[15] : f32 from vector<16xf32>
      %add3A_795 = arith.addf %scan3A_60, %reduce_sum3A_794 : f32
      %broadcast_in_dim3A_796 = arith.constant 1.000000e+00 : f32
      %broadcast_in_dim3A_797 = vector.broadcast %broadcast_in_dim3A_796 : f32 to vector<16xf32>
      %select_n3A_798 = arith.select %and3A_750, %broadcast_in_dim3A_797, %broadcast_in_dim3A_3 : vector<16xi1>, vector<16xf32>
      %reduce_sum3A_799 = arith.constant true
      %reduce_sum3A_800 = vector.broadcast %reduce_sum3A_799 : i1 to vector<16xi1>
      %reduce_sum3A_801 = tpu.scan <sum>, %select_n3A_798 masked %reduce_sum3A_800 : vector<16xf32>, vector<16xi1> -> vector<16xf32>
      %reduce_sum3A_802 = vector.extract %reduce_sum3A_801[15] : f32 from vector<16xf32>
      %add3A_803 = arith.addf %scan3A_61, %reduce_sum3A_802 : f32
      %select_n3A_804 = arith.select %and3A_747, %add3A_723, %broadcast_in_dim3A_3 : vector<16xi1>, vector<16xf32>
      %reduce_sum3A_805 = arith.constant true
      %reduce_sum3A_806 = vector.broadcast %reduce_sum3A_805 : i1 to vector<16xi1>
      %reduce_sum3A_807 = tpu.scan <sum>, %select_n3A_804 masked %reduce_sum3A_806 : vector<16xf32>, vector<16xi1> -> vector<16xf32>
      %reduce_sum3A_808 = vector.extract %reduce_sum3A_807[15] : f32 from vector<16xf32>
      %add3A_809 = arith.addf %add3A_764, %reduce_sum3A_808 : f32
      %sub3A_810 = arith.subf %select_n3A_632, %select_n3A_627 : vector<16xf32>
      %mul3A_811 = arith.mulf %sub3A_810, %sub3A_810 : vector<16xf32>
      %select_n3A_812 = arith.select %and3A_747, %mul3A_811, %broadcast_in_dim3A_3 : vector<16xi1>, vector<16xf32>
      %reduce_sum3A_813 = arith.constant true
      %reduce_sum3A_814 = vector.broadcast %reduce_sum3A_813 : i1 to vector<16xi1>
      %reduce_sum3A_815 = tpu.scan <sum>, %select_n3A_812 masked %reduce_sum3A_814 : vector<16xf32>, vector<16xi1> -> vector<16xf32>
      %reduce_sum3A_816 = vector.extract %reduce_sum3A_815[15] : f32 from vector<16xf32>
      %add3A_817 = arith.addf %add3A_772, %reduce_sum3A_816 : f32
      %mul3A_818 = arith.mulf %select_n3A_632, %select_n3A_632 : vector<16xf32>
      %select_n3A_819 = arith.select %and3A_747, %mul3A_818, %broadcast_in_dim3A_3 : vector<16xi1>, vector<16xf32>
      %reduce_sum3A_820 = arith.constant true
      %reduce_sum3A_821 = vector.broadcast %reduce_sum3A_820 : i1 to vector<16xi1>
      %reduce_sum3A_822 = tpu.scan <sum>, %select_n3A_819 masked %reduce_sum3A_821 : vector<16xf32>, vector<16xi1> -> vector<16xf32>
      %reduce_sum3A_823 = vector.extract %reduce_sum3A_822[15] : f32 from vector<16xf32>
      %add3A_824 = arith.addf %add3A_779, %reduce_sum3A_823 : f32
      %mul3A_825 = arith.constant 90 : i32
      %mul3A_826 = vector.broadcast %mul3A_825 : i32 to vector<16xi32>
      %mul3A_827 = arith.muli %add3A_463, %mul3A_826 : vector<16xi32>
      %add3A_828 = vector.broadcast %mul3A_63 : i32 to vector<16xi32>
      %add3A_829 = arith.addi %add3A_828, %mul3A_827 : vector<16xi32>
      %add3A_830 = arith.constant 10 : i32
      %add3A_831 = vector.broadcast %add3A_830 : i32 to vector<16xi32>
      %add3A_832 = arith.addi %add3A_829, %add3A_831 : vector<16xi32>
      %add3A_833 = arith.addi %add3A_832, %gather3A_426 : vector<16xi32>
      %gather3A_834 = tpu.vector_load_idx %arg6[%add3A_833] : memref<17640xf32, #tpu.memory_space<vmem>>[vector<16xi32>], vector<16xf32>,
      %select_n3A_835 = arith.select %and3A_753, %gather3A_834, %broadcast_in_dim3A_3 : vector<16xi1>, vector<16xf32>
      %reduce_sum3A_836 = arith.constant true
      %reduce_sum3A_837 = vector.broadcast %reduce_sum3A_836 : i1 to vector<16xi1>
      %reduce_sum3A_838 = tpu.scan <sum>, %select_n3A_835 masked %reduce_sum3A_837 : vector<16xf32>, vector<16xi1> -> vector<16xf32>
      %reduce_sum3A_839 = vector.extract %reduce_sum3A_838[15] : f32 from vector<16xf32>
      %add3A_840 = arith.addf %add3A_795, %reduce_sum3A_839 : f32
      %broadcast_in_dim3A_841 = arith.constant 1.000000e+00 : f32
      %broadcast_in_dim3A_842 = vector.broadcast %broadcast_in_dim3A_841 : f32 to vector<16xf32>
      %select_n3A_843 = arith.select %and3A_753, %broadcast_in_dim3A_842, %broadcast_in_dim3A_3 : vector<16xi1>, vector<16xf32>
      %reduce_sum3A_844 = arith.constant true
      %reduce_sum3A_845 = vector.broadcast %reduce_sum3A_844 : i1 to vector<16xi1>
      %reduce_sum3A_846 = tpu.scan <sum>, %select_n3A_843 masked %reduce_sum3A_845 : vector<16xf32>, vector<16xi1> -> vector<16xf32>
      %reduce_sum3A_847 = vector.extract %reduce_sum3A_846[15] : f32 from vector<16xf32>
      %add3A_848 = arith.addf %add3A_803, %reduce_sum3A_847 : f32
      %mul3A_849 = arith.constant 90 : i32
      %mul3A_850 = vector.broadcast %mul3A_849 : i32 to vector<16xi32>
      %mul3A_851 = arith.muli %add3A_126, %mul3A_850 : vector<16xi32>
      %add3A_852 = vector.broadcast %mul3A_63 : i32 to vector<16xi32>
      %add3A_853 = arith.addi %mul3A_851, %add3A_852 : vector<16xi32>
      %add3A_854 = arith.constant 10 : i32
      %add3A_855 = vector.broadcast %add3A_854 : i32 to vector<16xi32>
      %add3A_856 = arith.addi %add3A_853, %add3A_855 : vector<16xi32>
      %mul3A_857 = arith.constant 90 : i32
      %mul3A_858 = vector.broadcast %mul3A_857 : i32 to vector<16xi32>
      %mul3A_859 = arith.muli %add3A_463, %mul3A_858 : vector<16xi32>
      %add3A_860 = vector.broadcast %mul3A_63 : i32 to vector<16xi32>
      %add3A_861 = arith.addi %mul3A_859, %add3A_860 : vector<16xi32>
      %add3A_862 = arith.constant 10 : i32
      %add3A_863 = vector.broadcast %add3A_862 : i32 to vector<16xi32>
      %add3A_864 = arith.addi %add3A_861, %add3A_863 : vector<16xi32>
      %scan3A_865 = arith.constant 0 : i32
      %scan3A_866 = arith.constant 20 : i32
      %scan3A_867 = arith.addi %scan3A_865, %scan3A_866 : i32
      %scan3A_868 = arith.constant 1 : i32
      %scan3A_869:2 = scf.for %scan3A_1027 = %scan3A_865 to %scan3A_867 step %scan3A_868 iter_args(%scan3A_1028 = %broadcast_in_dim3A_3, %scan3A_1029 = %broadcast_in_dim3A_3) -> (vector<16xf32>, vector<16xf32>)  : i32 {
        %mul3A_1030 = arith.constant 4 : i32
        %mul3A_1031 = arith.muli %scan3A_1027, %mul3A_1030 : i32
        %add3A_1032 = vector.broadcast %mul3A_1031 : i32 to vector<16xi32>
        %add3A_1033 = arith.addi %add3A_856, %add3A_1032 : vector<16xi32>
        %add3A_1034 = arith.constant 0 : i32
        %add3A_1035 = vector.broadcast %add3A_1034 : i32 to vector<16xi32>
        %add3A_1036 = arith.addi %add3A_1033, %add3A_1035 : vector<16xi32>
        %gather3A_1037 = tpu.vector_load_idx %arg6[%add3A_1036] : memref<17640xf32, #tpu.memory_space<vmem>>[vector<16xi32>], vector<16xf32>,
        %mul3A_1038 = arith.constant 4 : i32
        %mul3A_1039 = arith.muli %scan3A_1027, %mul3A_1038 : i32
        %add3A_1040 = vector.broadcast %mul3A_1039 : i32 to vector<16xi32>
        %add3A_1041 = arith.addi %add3A_864, %add3A_1040 : vector<16xi32>
        %add3A_1042 = arith.constant 0 : i32
        %add3A_1043 = vector.broadcast %add3A_1042 : i32 to vector<16xi32>
        %add3A_1044 = arith.addi %add3A_1041, %add3A_1043 : vector<16xi32>
        %gather3A_1045 = tpu.vector_load_idx %arg6[%add3A_1044] : memref<17640xf32, #tpu.memory_space<vmem>>[vector<16xi32>], vector<16xf32>,
        %mul3A_1046 = arith.mulf %gather3A_1037, %gather3A_1037 : vector<16xf32>
        %add3A_1047 = arith.addf %scan3A_1028, %mul3A_1046 : vector<16xf32>
        %mul3A_1048 = arith.mulf %gather3A_1045, %gather3A_1045 : vector<16xf32>
        %add3A_1049 = arith.addf %scan3A_1029, %mul3A_1048 : vector<16xf32>
        %mul3A_1050 = arith.constant 4 : i32
        %mul3A_1051 = arith.muli %scan3A_1027, %mul3A_1050 : i32
        %add3A_1052 = vector.broadcast %mul3A_1051 : i32 to vector<16xi32>
        %add3A_1053 = arith.addi %add3A_856, %add3A_1052 : vector<16xi32>
        %add3A_1054 = arith.constant 1 : i32
        %add3A_1055 = vector.broadcast %add3A_1054 : i32 to vector<16xi32>
        %add3A_1056 = arith.addi %add3A_1053, %add3A_1055 : vector<16xi32>
        %gather3A_1057 = tpu.vector_load_idx %arg6[%add3A_1056] : memref<17640xf32, #tpu.memory_space<vmem>>[vector<16xi32>], vector<16xf32>,
        %mul3A_1058 = arith.constant 4 : i32
        %mul3A_1059 = arith.muli %scan3A_1027, %mul3A_1058 : i32
        %add3A_1060 = vector.broadcast %mul3A_1059 : i32 to vector<16xi32>
        %add3A_1061 = arith.addi %add3A_864, %add3A_1060 : vector<16xi32>
        %add3A_1062 = arith.constant 1 : i32
        %add3A_1063 = vector.broadcast %add3A_1062 : i32 to vector<16xi32>
        %add3A_1064 = arith.addi %add3A_1061, %add3A_1063 : vector<16xi32>
        %gather3A_1065 = tpu.vector_load_idx %arg6[%add3A_1064] : memref<17640xf32, #tpu.memory_space<vmem>>[vector<16xi32>], vector<16xf32>,
        %mul3A_1066 = arith.mulf %gather3A_1057, %gather3A_1057 : vector<16xf32>
        %add3A_1067 = arith.addf %add3A_1047, %mul3A_1066 : vector<16xf32>
        %mul3A_1068 = arith.mulf %gather3A_1065, %gather3A_1065 : vector<16xf32>
        %add3A_1069 = arith.addf %add3A_1049, %mul3A_1068 : vector<16xf32>
        %mul3A_1070 = arith.constant 4 : i32
        %mul3A_1071 = arith.muli %scan3A_1027, %mul3A_1070 : i32
        %add3A_1072 = vector.broadcast %mul3A_1071 : i32 to vector<16xi32>
        %add3A_1073 = arith.addi %add3A_856, %add3A_1072 : vector<16xi32>
        %add3A_1074 = arith.constant 2 : i32
        %add3A_1075 = vector.broadcast %add3A_1074 : i32 to vector<16xi32>
        %add3A_1076 = arith.addi %add3A_1073, %add3A_1075 : vector<16xi32>
        %gather3A_1077 = tpu.vector_load_idx %arg6[%add3A_1076] : memref<17640xf32, #tpu.memory_space<vmem>>[vector<16xi32>], vector<16xf32>,
        %mul3A_1078 = arith.constant 4 : i32
        %mul3A_1079 = arith.muli %scan3A_1027, %mul3A_1078 : i32
        %add3A_1080 = vector.broadcast %mul3A_1079 : i32 to vector<16xi32>
        %add3A_1081 = arith.addi %add3A_864, %add3A_1080 : vector<16xi32>
        %add3A_1082 = arith.constant 2 : i32
        %add3A_1083 = vector.broadcast %add3A_1082 : i32 to vector<16xi32>
        %add3A_1084 = arith.addi %add3A_1081, %add3A_1083 : vector<16xi32>
        %gather3A_1085 = tpu.vector_load_idx %arg6[%add3A_1084] : memref<17640xf32, #tpu.memory_space<vmem>>[vector<16xi32>], vector<16xf32>,
        %mul3A_1086 = arith.mulf %gather3A_1077, %gather3A_1077 : vector<16xf32>
        %add3A_1087 = arith.addf %add3A_1067, %mul3A_1086 : vector<16xf32>
        %mul3A_1088 = arith.mulf %gather3A_1085, %gather3A_1085 : vector<16xf32>
        %add3A_1089 = arith.addf %add3A_1069, %mul3A_1088 : vector<16xf32>
        %mul3A_1090 = arith.constant 4 : i32
        %mul3A_1091 = arith.muli %scan3A_1027, %mul3A_1090 : i32
        %add3A_1092 = vector.broadcast %mul3A_1091 : i32 to vector<16xi32>
        %add3A_1093 = arith.addi %add3A_856, %add3A_1092 : vector<16xi32>
        %add3A_1094 = arith.constant 3 : i32
        %add3A_1095 = vector.broadcast %add3A_1094 : i32 to vector<16xi32>
        %add3A_1096 = arith.addi %add3A_1093, %add3A_1095 : vector<16xi32>
        %gather3A_1097 = tpu.vector_load_idx %arg6[%add3A_1096] : memref<17640xf32, #tpu.memory_space<vmem>>[vector<16xi32>], vector<16xf32>,
        %mul3A_1098 = arith.constant 4 : i32
        %mul3A_1099 = arith.muli %scan3A_1027, %mul3A_1098 : i32
        %add3A_1100 = vector.broadcast %mul3A_1099 : i32 to vector<16xi32>
        %add3A_1101 = arith.addi %add3A_864, %add3A_1100 : vector<16xi32>
        %add3A_1102 = arith.constant 3 : i32
        %add3A_1103 = vector.broadcast %add3A_1102 : i32 to vector<16xi32>
        %add3A_1104 = arith.addi %add3A_1101, %add3A_1103 : vector<16xi32>
        %gather3A_1105 = tpu.vector_load_idx %arg6[%add3A_1104] : memref<17640xf32, #tpu.memory_space<vmem>>[vector<16xi32>], vector<16xf32>,
        %mul3A_1106 = arith.mulf %gather3A_1097, %gather3A_1097 : vector<16xf32>
        %add3A_1107 = arith.addf %add3A_1087, %mul3A_1106 : vector<16xf32>
        %mul3A_1108 = arith.mulf %gather3A_1105, %gather3A_1105 : vector<16xf32>
        %add3A_1109 = arith.addf %add3A_1089, %mul3A_1108 : vector<16xf32>
        scf.yield %add3A_1107, %add3A_1109 : vector<16xf32>, vector<16xf32>
      }
      %scan3A_870 = arith.constant 20 : i32
      %select_n3A_871 = arith.select %and3A_756, %scan3A_869#0, %broadcast_in_dim3A_3 : vector<16xi1>, vector<16xf32>
      %reduce_sum3A_872 = arith.constant true
      %reduce_sum3A_873 = vector.broadcast %reduce_sum3A_872 : i1 to vector<16xi1>
      %reduce_sum3A_874 = tpu.scan <sum>, %select_n3A_871 masked %reduce_sum3A_873 : vector<16xf32>, vector<16xi1> -> vector<16xf32>
      %reduce_sum3A_875 = vector.extract %reduce_sum3A_874[15] : f32 from vector<16xf32>
      %add3A_876 = arith.addf %scan3A_59, %reduce_sum3A_875 : f32
      %select_n3A_877 = arith.select %and3A_759, %scan3A_869#1, %broadcast_in_dim3A_3 : vector<16xi1>, vector<16xf32>
      %reduce_sum3A_878 = arith.constant true
      %reduce_sum3A_879 = vector.broadcast %reduce_sum3A_878 : i1 to vector<16xi1>
      %reduce_sum3A_880 = tpu.scan <sum>, %select_n3A_877 masked %reduce_sum3A_879 : vector<16xf32>, vector<16xi1> -> vector<16xf32>
      %reduce_sum3A_881 = vector.extract %reduce_sum3A_880[15] : f32 from vector<16xf32>
      %add3A_882 = arith.addf %add3A_876, %reduce_sum3A_881 : f32
      %add3A_883 = arith.constant 0 : i32
      %add3A_884 = vector.broadcast %add3A_883 : i32 to vector<16xi32>
      %add3A_885 = arith.addi %iota3A, %add3A_884 : vector<16xi32>
      %lt3A_886 = arith.constant 49 : i32
      %lt3A_887 = vector.broadcast %lt3A_886 : i32 to vector<16xi32>
      %lt3A_888 = arith.cmpi slt, %add3A_885, %lt3A_887 : vector<16xi32>
      %min3A_889 = arith.constant 48 : i32
      %min3A_890 = vector.broadcast %min3A_889 : i32 to vector<16xi32>
      %min3A_891 = arith.minsi %add3A_885, %min3A_890 : vector<16xi32>
      %mul3A_892 = arith.constant 90 : i32
      %mul3A_893 = vector.broadcast %mul3A_892 : i32 to vector<16xi32>
      %mul3A_894 = arith.muli %min3A_891, %mul3A_893 : vector<16xi32>
      %add3A_895 = vector.broadcast %mul3A_63 : i32 to vector<16xi32>
      %add3A_896 = arith.addi %add3A_895, %mul3A_894 : vector<16xi32>
      %add3A_897 = arith.constant 4 : i32
      %add3A_898 = vector.broadcast %add3A_897 : i32 to vector<16xi32>
      %add3A_899 = arith.addi %add3A_896, %add3A_898 : vector<16xi32>
      %gather3A_900 = tpu.vector_load_idx %arg6[%add3A_899] : memref<17640xf32, #tpu.memory_space<vmem>>[vector<16xi32>], vector<16xf32>,
      %mul3A_901 = arith.constant 90 : i32
      %mul3A_902 = vector.broadcast %mul3A_901 : i32 to vector<16xi32>
      %mul3A_903 = arith.muli %min3A_891, %mul3A_902 : vector<16xi32>
      %add3A_904 = vector.broadcast %mul3A_63 : i32 to vector<16xi32>
      %add3A_905 = arith.addi %add3A_904, %mul3A_903 : vector<16xi32>
      %add3A_906 = arith.constant 9 : i32
      %add3A_907 = vector.broadcast %add3A_906 : i32 to vector<16xi32>
      %add3A_908 = arith.addi %add3A_905, %add3A_907 : vector<16xi32>
      %gather3A_909 = tpu.vector_load_idx %arg6[%add3A_908] : memref<17640xf32, #tpu.memory_space<vmem>>[vector<16xi32>], vector<16xf32>,
      %mul3A_910 = arith.mulf %gather3A_900, %gather3A_900 : vector<16xf32>
      %mul3A_911 = arith.mulf %gather3A_909, %gather3A_909 : vector<16xf32>
      %add3A_912 = arith.addf %mul3A_910, %mul3A_911 : vector<16xf32>
      %select_n3A_913 = arith.select %lt3A_888, %add3A_912, %broadcast_in_dim3A_3 : vector<16xi1>, vector<16xf32>
      %reduce_sum3A_914 = arith.constant true
      %reduce_sum3A_915 = vector.broadcast %reduce_sum3A_914 : i1 to vector<16xi1>
      %reduce_sum3A_916 = tpu.scan <sum>, %select_n3A_913 masked %reduce_sum3A_915 : vector<16xf32>, vector<16xi1> -> vector<16xf32>
      %reduce_sum3A_917 = vector.extract %reduce_sum3A_916[15] : f32 from vector<16xf32>
      %add3A_918 = arith.addf %scan3A_58, %reduce_sum3A_917 : f32
      %add3A_919 = arith.constant 16 : i32
      %add3A_920 = vector.broadcast %add3A_919 : i32 to vector<16xi32>
      %add3A_921 = arith.addi %iota3A, %add3A_920 : vector<16xi32>
      %lt3A_922 = arith.constant 49 : i32
      %lt3A_923 = vector.broadcast %lt3A_922 : i32 to vector<16xi32>
      %lt3A_924 = arith.cmpi slt, %add3A_921, %lt3A_923 : vector<16xi32>
      %min3A_925 = arith.constant 48 : i32
      %min3A_926 = vector.broadcast %min3A_925 : i32 to vector<16xi32>
      %min3A_927 = arith.minsi %add3A_921, %min3A_926 : vector<16xi32>
      %mul3A_928 = arith.constant 90 : i32
      %mul3A_929 = vector.broadcast %mul3A_928 : i32 to vector<16xi32>
      %mul3A_930 = arith.muli %min3A_927, %mul3A_929 : vector<16xi32>
      %add3A_931 = vector.broadcast %mul3A_63 : i32 to vector<16xi32>
      %add3A_932 = arith.addi %add3A_931, %mul3A_930 : vector<16xi32>
      %add3A_933 = arith.constant 4 : i32
      %add3A_934 = vector.broadcast %add3A_933 : i32 to vector<16xi32>
      %add3A_935 = arith.addi %add3A_932, %add3A_934 : vector<16xi32>
      %gather3A_936 = tpu.vector_load_idx %arg6[%add3A_935] : memref<17640xf32, #tpu.memory_space<vmem>>[vector<16xi32>], vector<16xf32>,
      %mul3A_937 = arith.constant 90 : i32
      %mul3A_938 = vector.broadcast %mul3A_937 : i32 to vector<16xi32>
      %mul3A_939 = arith.muli %min3A_927, %mul3A_938 : vector<16xi32>
      %add3A_940 = vector.broadcast %mul3A_63 : i32 to vector<16xi32>
      %add3A_941 = arith.addi %add3A_940, %mul3A_939 : vector<16xi32>
      %add3A_942 = arith.constant 9 : i32
      %add3A_943 = vector.broadcast %add3A_942 : i32 to vector<16xi32>
      %add3A_944 = arith.addi %add3A_941, %add3A_943 : vector<16xi32>
      %gather3A_945 = tpu.vector_load_idx %arg6[%add3A_944] : memref<17640xf32, #tpu.memory_space<vmem>>[vector<16xi32>], vector<16xf32>,
      %mul3A_946 = arith.mulf %gather3A_936, %gather3A_936 : vector<16xf32>
      %mul3A_947 = arith.mulf %gather3A_945, %gather3A_945 : vector<16xf32>
      %add3A_948 = arith.addf %mul3A_946, %mul3A_947 : vector<16xf32>
      %select_n3A_949 = arith.select %lt3A_924, %add3A_948, %broadcast_in_dim3A_3 : vector<16xi1>, vector<16xf32>
      %reduce_sum3A_950 = arith.constant true
      %reduce_sum3A_951 = vector.broadcast %reduce_sum3A_950 : i1 to vector<16xi1>
      %reduce_sum3A_952 = tpu.scan <sum>, %select_n3A_949 masked %reduce_sum3A_951 : vector<16xf32>, vector<16xi1> -> vector<16xf32>
      %reduce_sum3A_953 = vector.extract %reduce_sum3A_952[15] : f32 from vector<16xf32>
      %add3A_954 = arith.addf %add3A_918, %reduce_sum3A_953 : f32
      %add3A_955 = arith.constant 32 : i32
      %add3A_956 = vector.broadcast %add3A_955 : i32 to vector<16xi32>
      %add3A_957 = arith.addi %iota3A, %add3A_956 : vector<16xi32>
      %lt3A_958 = arith.constant 49 : i32
      %lt3A_959 = vector.broadcast %lt3A_958 : i32 to vector<16xi32>
      %lt3A_960 = arith.cmpi slt, %add3A_957, %lt3A_959 : vector<16xi32>
      %min3A_961 = arith.constant 48 : i32
      %min3A_962 = vector.broadcast %min3A_961 : i32 to vector<16xi32>
      %min3A_963 = arith.minsi %add3A_957, %min3A_962 : vector<16xi32>
      %mul3A_964 = arith.constant 90 : i32
      %mul3A_965 = vector.broadcast %mul3A_964 : i32 to vector<16xi32>
      %mul3A_966 = arith.muli %min3A_963, %mul3A_965 : vector<16xi32>
      %add3A_967 = vector.broadcast %mul3A_63 : i32 to vector<16xi32>
      %add3A_968 = arith.addi %add3A_967, %mul3A_966 : vector<16xi32>
      %add3A_969 = arith.constant 4 : i32
      %add3A_970 = vector.broadcast %add3A_969 : i32 to vector<16xi32>
      %add3A_971 = arith.addi %add3A_968, %add3A_970 : vector<16xi32>
      %gather3A_972 = tpu.vector_load_idx %arg6[%add3A_971] : memref<17640xf32, #tpu.memory_space<vmem>>[vector<16xi32>], vector<16xf32>,
      %mul3A_973 = arith.constant 90 : i32
      %mul3A_974 = vector.broadcast %mul3A_973 : i32 to vector<16xi32>
      %mul3A_975 = arith.muli %min3A_963, %mul3A_974 : vector<16xi32>
      %add3A_976 = vector.broadcast %mul3A_63 : i32 to vector<16xi32>
      %add3A_977 = arith.addi %add3A_976, %mul3A_975 : vector<16xi32>
      %add3A_978 = arith.constant 9 : i32
      %add3A_979 = vector.broadcast %add3A_978 : i32 to vector<16xi32>
      %add3A_980 = arith.addi %add3A_977, %add3A_979 : vector<16xi32>
      %gather3A_981 = tpu.vector_load_idx %arg6[%add3A_980] : memref<17640xf32, #tpu.memory_space<vmem>>[vector<16xi32>], vector<16xf32>,
      %mul3A_982 = arith.mulf %gather3A_972, %gather3A_972 : vector<16xf32>
      %mul3A_983 = arith.mulf %gather3A_981, %gather3A_981 : vector<16xf32>
      %add3A_984 = arith.addf %mul3A_982, %mul3A_983 : vector<16xf32>
      %select_n3A_985 = arith.select %lt3A_960, %add3A_984, %broadcast_in_dim3A_3 : vector<16xi1>, vector<16xf32>
      %reduce_sum3A_986 = arith.constant true
      %reduce_sum3A_987 = vector.broadcast %reduce_sum3A_986 : i1 to vector<16xi1>
      %reduce_sum3A_988 = tpu.scan <sum>, %select_n3A_985 masked %reduce_sum3A_987 : vector<16xf32>, vector<16xi1> -> vector<16xf32>
      %reduce_sum3A_989 = vector.extract %reduce_sum3A_988[15] : f32 from vector<16xf32>
      %add3A_990 = arith.addf %add3A_954, %reduce_sum3A_989 : f32
      %add3A_991 = arith.constant 48 : i32
      %add3A_992 = vector.broadcast %add3A_991 : i32 to vector<16xi32>
      %add3A_993 = arith.addi %iota3A, %add3A_992 : vector<16xi32>
      %lt3A_994 = arith.constant 49 : i32
      %lt3A_995 = vector.broadcast %lt3A_994 : i32 to vector<16xi32>
      %lt3A_996 = arith.cmpi slt, %add3A_993, %lt3A_995 : vector<16xi32>
      %min3A_997 = arith.constant 48 : i32
      %min3A_998 = vector.broadcast %min3A_997 : i32 to vector<16xi32>
      %min3A_999 = arith.minsi %add3A_993, %min3A_998 : vector<16xi32>
      %mul3A_1000 = arith.constant 90 : i32
      %mul3A_1001 = vector.broadcast %mul3A_1000 : i32 to vector<16xi32>
      %mul3A_1002 = arith.muli %min3A_999, %mul3A_1001 : vector<16xi32>
      %add3A_1003 = vector.broadcast %mul3A_63 : i32 to vector<16xi32>
      %add3A_1004 = arith.addi %add3A_1003, %mul3A_1002 : vector<16xi32>
      %add3A_1005 = arith.constant 4 : i32
      %add3A_1006 = vector.broadcast %add3A_1005 : i32 to vector<16xi32>
      %add3A_1007 = arith.addi %add3A_1004, %add3A_1006 : vector<16xi32>
      %gather3A_1008 = tpu.vector_load_idx %arg6[%add3A_1007] : memref<17640xf32, #tpu.memory_space<vmem>>[vector<16xi32>], vector<16xf32>,
      %mul3A_1009 = arith.constant 90 : i32
      %mul3A_1010 = vector.broadcast %mul3A_1009 : i32 to vector<16xi32>
      %mul3A_1011 = arith.muli %min3A_999, %mul3A_1010 : vector<16xi32>
      %add3A_1012 = vector.broadcast %mul3A_63 : i32 to vector<16xi32>
      %add3A_1013 = arith.addi %add3A_1012, %mul3A_1011 : vector<16xi32>
      %add3A_1014 = arith.constant 9 : i32
      %add3A_1015 = vector.broadcast %add3A_1014 : i32 to vector<16xi32>
      %add3A_1016 = arith.addi %add3A_1013, %add3A_1015 : vector<16xi32>
      %gather3A_1017 = tpu.vector_load_idx %arg6[%add3A_1016] : memref<17640xf32, #tpu.memory_space<vmem>>[vector<16xi32>], vector<16xf32>,
      %mul3A_1018 = arith.mulf %gather3A_1008, %gather3A_1008 : vector<16xf32>
      %mul3A_1019 = arith.mulf %gather3A_1017, %gather3A_1017 : vector<16xf32>
      %add3A_1020 = arith.addf %mul3A_1018, %mul3A_1019 : vector<16xf32>
      %select_n3A_1021 = arith.select %lt3A_996, %add3A_1020, %broadcast_in_dim3A_3 : vector<16xi1>, vector<16xf32>
      %reduce_sum3A_1022 = arith.constant true
      %reduce_sum3A_1023 = vector.broadcast %reduce_sum3A_1022 : i1 to vector<16xi1>
      %reduce_sum3A_1024 = tpu.scan <sum>, %select_n3A_1021 masked %reduce_sum3A_1023 : vector<16xf32>, vector<16xi1> -> vector<16xf32>
      %reduce_sum3A_1025 = vector.extract %reduce_sum3A_1024[15] : f32 from vector<16xf32>
      %add3A_1026 = arith.addf %add3A_990, %reduce_sum3A_1025 : f32
      scf.yield %add3A_809, %add3A_817, %add3A_824, %add3A_1026, %add3A_882, %add3A_840, %add3A_848 : f32, f32, f32, f32, f32, f32, f32
    }
    %scan3A_15 = arith.constant 4 : i32
    %broadcast_in_dim3A_16 = arith.constant 0.000000e+00 : f32
    %broadcast_in_dim3A_17 = vector.broadcast %broadcast_in_dim3A_16 : f32 to vector<16xf32>
    %eq3A = arith.constant 0 : i32
    %eq3A_18 = vector.broadcast %eq3A : i32 to vector<16xi32>
    %eq3A_19 = arith.cmpi eq, %iota3A, %eq3A_18 : vector<16xi32>
    %mul3A_20 = arith.constant 5.000000e+00 : f32
    %mul3A_21 = arith.mulf %scan3A_14#0, %mul3A_20 : f32
    %broadcast_in_dim3A_22 = vector.broadcast %mul3A_21 : f32 to vector<16xf32>
    %select_n3A = arith.select %eq3A_19, %broadcast_in_dim3A_22, %broadcast_in_dim3A_17 : vector<16xi1>, vector<16xf32>
    %eq3A_23 = arith.constant 1 : i32
    %eq3A_24 = vector.broadcast %eq3A_23 : i32 to vector<16xi32>
    %eq3A_25 = arith.cmpi eq, %iota3A, %eq3A_24 : vector<16xi32>
    %broadcast_in_dim3A_26 = vector.broadcast %scan3A_14#1 : f32 to vector<16xf32>
    %select_n3A_27 = arith.select %eq3A_25, %broadcast_in_dim3A_26, %select_n3A : vector<16xi1>, vector<16xf32>
    %eq3A_28 = arith.constant 2 : i32
    %eq3A_29 = vector.broadcast %eq3A_28 : i32 to vector<16xi32>
    %eq3A_30 = arith.cmpi eq, %iota3A, %eq3A_29 : vector<16xi32>
    %broadcast_in_dim3A_31 = vector.broadcast %scan3A_14#2 : f32 to vector<16xf32>
    %select_n3A_32 = arith.select %eq3A_30, %broadcast_in_dim3A_31, %select_n3A_27 : vector<16xi1>, vector<16xf32>
    %eq3A_33 = arith.constant 3 : i32
    %eq3A_34 = vector.broadcast %eq3A_33 : i32 to vector<16xi32>
    %eq3A_35 = arith.cmpi eq, %iota3A, %eq3A_34 : vector<16xi32>
    %broadcast_in_dim3A_36 = vector.broadcast %scan3A_14#3 : f32 to vector<16xf32>
    %select_n3A_37 = arith.select %eq3A_35, %broadcast_in_dim3A_36, %select_n3A_32 : vector<16xi1>, vector<16xf32>
    %eq3A_38 = arith.constant 4 : i32
    %eq3A_39 = vector.broadcast %eq3A_38 : i32 to vector<16xi32>
    %eq3A_40 = arith.cmpi eq, %iota3A, %eq3A_39 : vector<16xi32>
    %broadcast_in_dim3A_41 = vector.broadcast %scan3A_14#4 : f32 to vector<16xf32>
    %select_n3A_42 = arith.select %eq3A_40, %broadcast_in_dim3A_41, %select_n3A_37 : vector<16xi1>, vector<16xf32>
    %eq3A_43 = arith.constant 5 : i32
    %eq3A_44 = vector.broadcast %eq3A_43 : i32 to vector<16xi32>
    %eq3A_45 = arith.cmpi eq, %iota3A, %eq3A_44 : vector<16xi32>
    %broadcast_in_dim3A_46 = vector.broadcast %scan3A_14#5 : f32 to vector<16xf32>
    %select_n3A_47 = arith.select %eq3A_45, %broadcast_in_dim3A_46, %select_n3A_42 : vector<16xi1>, vector<16xf32>
    %eq3A_48 = arith.constant 6 : i32
    %eq3A_49 = vector.broadcast %eq3A_48 : i32 to vector<16xi32>
    %eq3A_50 = arith.cmpi eq, %iota3A, %eq3A_49 : vector<16xi32>
    %broadcast_in_dim3A_51 = vector.broadcast %scan3A_14#6 : f32 to vector<16xf32>
    %select_n3A_52 = arith.select %eq3A_50, %broadcast_in_dim3A_51, %select_n3A_47 : vector<16xi1>, vector<16xf32>
    %swap3A = arith.constant 0 : index
    %swap3A_53 = tpu.vector_load %arg9[%swap3A] {strides = array<i32>} : memref<16xf32, #tpu.memory_space<vmem>>, vector<16xf32>,
    tpu.vector_store %arg9[%swap3A], %select_n3A_52 {strides = array<i32>} : memref<16xf32, #tpu.memory_space<vmem>>, vector<16xf32>,
    "tpu.region"() ({
      %run_scoped3A = tpu.sem_alloc : memref<!tpu.dma_semaphore, #tpu.memory_space<semaphore_mem>>
      %dma_start3A = arith.constant 0 : i32
      %dma_start3A_54 = tpu.memref_slice %arg5[%add3A, %dma_start3A] : memref<32x16xf32, #tpu.memory_space<hbm>> -> memref<1x16xf32, #tpu.memory_space<hbm>>
      %dma_start3A_55 = tpu.memref_squeeze %dma_start3A_54 : memref<1x16xf32, #tpu.memory_space<hbm>> -> memref<16xf32, #tpu.memory_space<hbm>>
      %dma_start3A_56 = arith.constant 0 : i32
      %dma_start3A_57 = tpu.memref_slice %arg5[%add3A, %dma_start3A_56] : memref<32x16xf32, #tpu.memory_space<hbm>> -> memref<1x16xf32, #tpu.memory_space<hbm>>
      %dma_start3A_58 = tpu.memref_squeeze %dma_start3A_57 : memref<1x16xf32, #tpu.memory_space<hbm>> -> memref<16xf32, #tpu.memory_space<hbm>>
      tpu.enqueue_dma source(%arg9 : memref<16xf32, #tpu.memory_space<vmem>>) target(%dma_start3A_58 : memref<16xf32, #tpu.memory_space<hbm>>) target_semaphore(%run_scoped3A : memref<!tpu.dma_semaphore, #tpu.memory_space<semaphore_mem>>)
      %dma_wait3A = arith.constant 0 : i32
      %dma_wait3A_59 = tpu.memref_slice %arg5[%add3A, %dma_wait3A] : memref<32x16xf32, #tpu.memory_space<hbm>> -> memref<1x16xf32, #tpu.memory_space<hbm>>
      %dma_wait3A_60 = tpu.memref_squeeze %dma_wait3A_59 : memref<1x16xf32, #tpu.memory_space<hbm>> -> memref<16xf32, #tpu.memory_space<hbm>>
      %dma_wait3A_61 = arith.constant 0 : i32
      %dma_wait3A_62 = tpu.memref_slice %arg5[%add3A, %dma_wait3A_61] : memref<32x16xf32, #tpu.memory_space<hbm>> -> memref<1x16xf32, #tpu.memory_space<hbm>>
      %dma_wait3A_63 = tpu.memref_squeeze %dma_wait3A_62 : memref<1x16xf32, #tpu.memory_space<hbm>> -> memref<16xf32, #tpu.memory_space<hbm>>
      tpu.wait_dma2 semaphore(%run_scoped3A : memref<!tpu.dma_semaphore, #tpu.memory_space<semaphore_mem>>) src(%arg9 : memref<16xf32, #tpu.memory_space<vmem>>) dst(%dma_wait3A_63 : memref<16xf32, #tpu.memory_space<hbm>>)
      tpu.yield
    }) : () -> ()
    return
  }
}

</mosaic_0001>

<sc_bundles>
// kernel: kernel.3.cloned.1.call-start
scs
__scs_entry_jumppad:
0x0: {  	(pc) =	sbr.rel $0x88, $3  }
0x1: {  	(tag) =	ssettag $0x0;
	lr =	simm.s32 $0x1  }
0x2: {  	[smem:$0x3F9E] =	sst lr;
	_ =	strace $0xD0000000  }
0x3: {  	_ = 	snop  }
0x4: {  	_ = 	snop  }
0x5: {  	_ = 	snop  }
0x6: {  	_ = 	snop  }
0x7: {  	_ = 	snop  }
__scs_overlays_trampoline_lowered:
0x8: {  	[smem:$0x3FAD] =	sst s0  }
0x9: {  	[smem:$0x3FAE] =	sst s1  }
0xa: {  	[smem:$0x3FAF] =	sst s2  }
0xb: {  	[smem:$0x3FB0] =	sst s3  }
0xc: {  	[smem:$0x3FB1] =	sst s4  }
0xd: {  	[smem:$0x3FB2] =	sst s5  }
0xe: {  	[smem:$0x3FB3] =	sst s6  }
0xf: {  	[smem:$0x3FB4] =	sst s7  }
0x10: {  	[smem:$0x3FB5] =	sst s8  }
0x11: {  	[smem:$0x3FB6] =	sst s9;
	s0 =	simm.s32 @!p0 $0x0  }
0x12: {  	s1 =	sld [smem:$0x3F9C];
	s0 =	simm.s32 @p0 $0x1  }
0x13: {  	[smem:$0x3FB7] =	sst s0;
	s0 =	simm.s32 @!p1 $0x0  }
0x14: {  	s2 =	sld [smem:$0x3F9B];
	s0 =	simm.s32 @p1 $0x1  }
0x15: {  	[smem:$0x3FB8] =	sst s0;
	s0 =	simm.s32 @!p2 $0x0  }
0x16: {  	s3 =	sld [smem:$0x3FDB];
	s0 =	simm.s32 @p2 $0x1  }
0x17: {  	s4 =	simm.s32 $0x1BF5;
	[smem:$0x3FBA] =	sst s0  }
0x18: {  	s0 =	sld [smem:$0x3F9D];
	_ =	swait.ge [sflag:s4], $0x0  }
0x19: {  	s7 =	sld [smem:$0x3F9E]  }
0x1a: {  	s8 =	sadd.s32 $0xFFFFE003, lr  }
0x1b: {  	s9 =	sadd.s32 $0xFFFFFEF7, lr;
	s5 =	simm.s32 $0xFFFFFFFF;
	p2 =	slt.u32 s8, $0xFFFFF086  }
0x1c: {  	p1 =	slt.u32 s9, $0xF7A;
	s5 =	simm.s32 @!p2 $0x0  }
0x1d: {  	s5 =	simm.s32 @p1 $0x1;
	p0 =	seq.s32 s7, s2  }
0x1e: {  	s7 =	smul.u32 @!p0 $0xF7A, s2;
	p2 =	seq.s32 @!p0 s5, $0x0  }
0x1f: {  	s9 =	smul.u32 $0xF7A, s1;
	s8 =	simm.s32 @!p0 $0x1BF5;
	p2 =	por !p2, p0  }
0x20: {  	[sflag:s8] =	ssyncset.s32 @!p0 $0xFFFFF086;
	s6 =	sadd.s32 @!p0 s3, s7;
	s7 =	simm.s32 @!p0 $0x108  }
0x21: {  	s3 =	sadd.s32 s3, s9;
	s6 =	sadd.s32 @!p0 $0x88, s6;
	s7 =	simm.s32 @p2 $0x1082  }
0x22: {  	[simem:s7], [sflag:s8] =	dma.local @!p0 [hbm:s6], $0xF7A  }
0x23: {  	s9 =	sor.u32 $0xD0000000, s2;
	s6 =	simm.s32 $0x108;
	_ =	swait.ge @!p0 [sflag:s8], $0x0  }
0x24: {  	s3 =	sadd.s32 $0x88, s3;
	s6 =	simm.s32 @!p1 $0x1082;
	[sflag:s4] =	ssyncset.s32 $0xFFFFF086  }
0x25: {  	[simem:s6], [sflag:s4] =	dma.local [hbm:s3], $0xF7A  }
0x26: {  	[smem:$0x3F9E] =	sst s1;
	(tag) =	ssettag s2;
	_ =	strace s9  }
0x27: {  	s1 =	sld [smem:$0x3FAE]  }
0x28: {  	s2 =	sld [smem:$0x3FAF]  }
0x29: {  	s4 =	sld [smem:$0x3FB1]  }
0x2a: {  	p0 =	seq.s32 s5, $0x0;
	s5 =	sld [smem:$0x3FB2]  }
0x2b: {  	s6 =	sld [smem:$0x3FB3]  }
0x2c: {  	s7 =	sld [smem:$0x3FB4]  }
0x2d: {  	s3 =	simm.s32 $0x108;
	s8 =	sld [smem:$0x3FB5]  }
0x2e: {  	s3 =	simm.s32 @!p0 $0x1082;
	s9 =	sld [smem:$0x3FB6]  }
0x2f: {  	lr =	sadd.s32 s0, s3;
	s0 =	sld [smem:$0x3FAD]  }
0x30: {  	s3 =	sld [smem:$0x3FB0]  }
0x31: {  	[smem:$0x3FB9] =	sst s10  }
0x32: {  	s10 =	sld [smem:$0x3FB7];
	_ =	sdelay $0x3  }
0x33: {  	p0 =	seq.s32 s10, $0x1;
	s10 =	sld [smem:$0x3FB9];
	_ =	sdelay $0x3  }
0x34: {  	[smem:$0x3FB9] =	sst s10  }
0x35: {  	s10 =	sld [smem:$0x3FB8];
	_ =	sdelay $0x3  }
0x36: {  	p1 =	seq.s32 s10, $0x1;
	s10 =	sld [smem:$0x3FB9];
	_ =	sdelay $0x3  }
0x37: {  	[smem:$0x3FB9] =	sst s10  }
0x38: {  	s10 =	sld [smem:$0x3FBA]  }
0x39: {  	_ = 	snop;
	(pc) =	sbr.ind lr, $3  }
0x3a: {  	_ = 	snop  }
0x3b: {  	_ = 	snop  }
0x3c: {  	p2 =	seq.s32 s10, $0x1;
	s10 =	sld [smem:$0x3FB9]  }
0x3d: {  	_ =	shalt  }
0x3e: {  	_ =	shalt  }
0x3f: {  	_ =	shalt  }
0x40: {  	_ =	shalt  }
0x41: {  	_ =	shalt  }
0x42: {  	_ =	shalt  }
0x43: {  	_ =	shalt  }
0x44: {  	_ =	shalt  }
0x45: {  	_ =	shalt  }
0x46: {  	_ =	shalt  }
0x47: {  	_ =	shalt  }
0x48: {  	_ =	shalt  }
0x49: {  	_ =	shalt  }
0x4a: {  	_ =	shalt  }
0x4b: {  	_ =	shalt  }
0x4c: {  	_ =	shalt  }
0x4d: {  	_ =	shalt  }
0x4e: {  	_ =	shalt  }
0x4f: {  	_ =	shalt  }
0x50: {  	_ =	shalt  }
0x51: {  	_ =	shalt  }
0x52: {  	_ =	shalt  }
0x53: {  	_ =	shalt  }
0x54: {  	_ =	shalt  }
0x55: {  	_ =	shalt  }
0x56: {  	_ =	shalt  }
0x57: {  	_ =	shalt  }
0x58: {  	_ =	shalt  }
0x59: {  	_ =	shalt  }
0x5a: {  	_ =	shalt  }
0x5b: {  	_ =	shalt  }
0x5c: {  	_ =	shalt  }
0x5d: {  	_ =	shalt  }
0x5e: {  	_ =	shalt  }
0x5f: {  	_ =	shalt  }
0x60: {  	_ =	shalt  }
0x61: {  	_ =	shalt  }
0x62: {  	_ =	shalt  }
0x63: {  	_ =	shalt  }
0x64: {  	_ =	shalt  }
0x65: {  	_ =	shalt  }
0x66: {  	_ =	shalt  }
0x67: {  	_ =	shalt  }
0x68: {  	_ =	shalt  }
0x69: {  	_ =	shalt  }
0x6a: {  	_ =	shalt  }
0x6b: {  	_ =	shalt  }
0x6c: {  	_ =	shalt  }
0x6d: {  	_ =	shalt  }
0x6e: {  	_ =	shalt  }
0x6f: {  	_ =	shalt  }
0x70: {  	_ =	shalt  }
0x71: {  	_ =	shalt  }
0x72: {  	_ =	shalt  }
0x73: {  	_ =	shalt  }
0x74: {  	_ =	shalt  }
0x75: {  	_ =	shalt  }
0x76: {  	_ =	shalt  }
0x77: {  	_ =	shalt  }
0x78: {  	_ =	shalt  }
0x79: {  	_ =	shalt  }
0x7a: {  	_ =	shalt  }
0x7b: {  	_ =	shalt  }
0x7c: {  	_ =	shalt  }
0x7d: {  	_ =	shalt  }
0x7e: {  	_ =	shalt  }
0x7f: {  	_ =	shalt  }
0x80: {  	_ =	shalt  }
0x81: {  	_ =	shalt  }
0x82: {  	_ =	shalt  }
0x83: {  	_ =	shalt  }
0x84: {  	_ =	shalt  }
0x85: {  	_ =	shalt  }
0x86: {  	_ =	shalt  }
0x87: {  	_ =	shalt  }
.Lfunc_end0:
.L_simem_size_0:
called_computation_lowered:
.L_overlay_start_0:
0x88: {  	s2 =	sld [smem:$0x3FD9]  }
0x89: {  	s3 =	sld [smem:$0x3FFE];
	_ =	sdelay $0x1  }
0x8a: {  	s1 =	srdreg.scid  }
0x8b: {  	s0 =	sand.u32 $0x1, s1  }
0x8c: {  	s17 =	sshll.u32 s0, $0xA;
	s2 =	sadd.s32 s3, s2  }
0x8d: {  	s2 =	sadd.s32 s2, s17  }
0x8e: {  	[smem:$0x3FC5] =	sst s2  }
0x8f: {  	_ = 	snop  }
0x90: {  	s2 =	sld [smem:$0x3FC8]  }
0x91: {  	s18 =	sld [smem:$0x3FC7];
	(tm) =	ssettm $0x1  }
0x92: {  	s4 =	sld [smem:$0x3FFB];
	_ =	sdelay $0x3  }
0x93: {  	_ =	strace s4  }
0x94: {  	s4 =	sld [smem:$0x3FFC];
	_ =	sdelay $0x3  }
0x95: {  	_ =	strace s4  }
0x96: {  	s4 =	sld [smem:$0x3FFD];
	_ =	sdelay $0x3  }
0x97: {  	_ =	strace s4  }
0x98: {  	_ =	strace $0x8FFFFFFF  }
0x99: {  	s19 =	sld [smem:$0x3FDB];
	_ =	sdelay $0x1  }
0x9a: {  	s5 =	simm.s32 $_scs_section_size  }
0x9b: {  	s6 =	simm.s32 $_size__tile_overlayer_lowered;
	s7 =	simm.s32 $_tile_overlayer_lowered  }
0x9c: {  	s22 =	simm.s32 $0x1BFF;
	s21 =	sshll.u32 s7, $0x1;
	s4 =	sadd.s32 s5, s19  }
0x9d: {  	s8 =	simm.s32 $0x0;
	s20 =	sshll.u32 s6, $0x1;
	s6 =	sadd.s32 s21, s4  }
0x9e: {  	[timem:s8], [sflag:s22] =	dma.local [hbm:s6], s20  }
0x9f: {  	_ =	swait.ge [sflag:s22], s20  }
0xa0: {  	s5 =	ssub.s32 $0x0, s20;
	[sflag:s22] =	ssyncset.done $0x0  }
0xa1: {  	[sflag:s22] =	ssyncadd.s32 s5;
	_ =	sdelay $0x1  }
0xa2: {  	s23 =	simm.s32 $0x1B8B  }
0xa3: {  	_ =	swait.ge [sflag:s23], $0x1  }
0xa4: {  	[sflag:s23] =	ssyncset.done $0x0  }
0xa5: {  	s25 =	simm.s32 $0x1B8E;
	s24 =	sld [smem:$0x3FFE];
	[sflag:s23] =	ssyncadd.s32 $0xFFFFFFFF  }
0xa6: {  	s26 =	simm.s32 $execute0_lowered;
	[smem:$0x3FD2] =	sst s25  }
0xa7: {  	s6 =	sshll.u32 s26, $0x1;
	_ =	strace $0x80000046;
	[dreg:$0x1] =	wrdreg $0xFFFFFFFF  }
0xa8: {  	s28 =	simm.s32 $_size_execute0_lowered;
	s4 =	sadd.s32 s4, s6;
	[dreg:$0x0] =	wrdreg $0x0  }
0xa9: {  	s6 =	sshll.u32 s28, $0x1;
	[dreg:$0x2] =	wrdreg s4  }
0xaa: {  	[dreg:$0x3] =	wrdreg s6  }
0xab: {  	[dreg:$0x4] =	wrdreg $0xC0  }
0xac: {  	_ =	task [dreg:s8], $0x5FFFF  }
0xad: {  	[dreg:$0x1] =	wrdreg $0xFFFFFFFF  }
0xae: {  	[dreg:$0x0] =	wrdreg $0x60  }
0xaf: {  	[dreg:$0x2] =	wrdreg s24  }
0xb0: {  	[dreg:$0x3] =	wrdreg s2  }
0xb1: {  	[dreg:$0x4] =	wrdreg s18  }
0xb2: {  	[dreg:$0x5] =	wrdreg $0x9  }
0xb3: {  	_ =	task.clear_ibuf [dreg:s8], $0x6FFFF;
	_ =	strace $0x90000046  }
0xb4: {  	s29 =	simm.s32 $0x9;
	_ =	strace $0x80000048  }
0xb5: {  	_ =	swait.ge [sflag:s29], $0x1  }
0xb6: {  	[sflag:s29] =	ssyncadd.s32 $0xFFFFFFFF  }
0xb7: {  	_ =	strace $0x90000048  }
0xb8: {  	_ =	sfence  }
0xb9: {  	s30 =	sld [smem:$0x0];
	_ =	sdelay $0x2  }
0xba: {  	s31 =	sshll.u32 s1, $0xD;
	s1 =	sshrl.u32 s1, $0x2  }
0xbb: {  	s3 =	sand.u32 $0x4000, s31;
	s1 =	sadd.s32 s1, s30  }
0xbc: {  	s0 =	sor.u32 s3, s0;
	s1 =	sshll.u32 s1, $0x11  }
0xbd: {  	s0 =	sor.u32 s1, s0  }
0xbe: {  	s0 =	sadd.s32 $0x8F2B, s0  }
0xbf: {  	[sflag:s0] =	ssyncadd.remote.s32 $0x1  }
0xc0: {  	_ =	sfence.sel $0xFFFF  }
0xc1: {  	[dreg:$0x0] =	wrdreg $0xFFFFFFFF;
	(pc) =	sbr.abs _section_cstart, $3  }
0xc2: {  	[dreg:$0x1] =	wrdreg $0xFFFFFFFF  }
0xc3: {  	_ =	task.clear_ibuf [dreg:s8], $0x2FFFF;
	_ =	strace $0x9FFFFFFF  }
0xc4: {  	(tm) =	ssettm $0x7FFFFFFF  }
0xc5: {  	_ =	shalt  }
tec
execute0_lowered:
.L_overlay_start_1:
0x0: {  	(tag) =	ssettag $0x1  }
0x1: {  	s5 =	rddreg [dreg:$0x0]  }
0x2: {  	s1 =	rddreg [dreg:$0x1]  }
0x3: {  	s2 =	rddreg [dreg:$0x2];
	s3 =	simm.s32 $0x0;
	v0 =	vlaneseq.u32  }
0x4: {  	[smem:$0x7FF] =	sst s3;
	v2 =	vmul.u32 $0x200, v0  }
0x5: {  	s0 =	rddreg [dreg:$0x3];
	v1 =	vimm.f32 $7.000000000e+00;
	_ =	strace $0x80000047  }
0x6: {  	(erf) = vrcp.f32 v1;
	v1 =	vor.u32 $0x80, v2  }
0x7: {  	[tilespmem:$0x1FF50] =	vst v1;
	v1 =	vor.u32 $0x100, v2  }
0x8: {  	[tilespmem:$0x1FF60] =	vst v1;
	v1 =	vor.u32 $0x180, v2  }
0x9: {  	[tilespmem:$0x1FF80] =	vst v1;
	v1 =	vmul.u32 $0x80, v0;
	_ =	sdelay $0x1  }
0xa: {  	vm0 =	vcmask $0x300;
	[tilespmem:$0x1FF90] =	vst v1;
	v1 =	vimm.s32 $0x2E00  }
0xb: {  	vm1 =	vcmask $0x704;
	v1 =	vsel vm0, $0x2000, v1  }
0xc: {  	vm2 =	vcmask $0xB08;
	[tilespmem:$0x1FF70] =	vst v2;
	v2 =	vimm.s32 $0x2E80;
	v1 =	vsel vm1, $0x2200, v1  }
0xd: {  	vm3 =	vcmask $0xF0C;
	v2 =	vsel vm0, $0x2080, v2;
	v1 =	vsel vm2, $0x2400, v1  }
0xe: {  	vm4 =	vcmask $0x1310;
	v2 =	vsel vm1, $0x2280, v2;
	v1 =	vsel vm3, $0x2600, v1  }
0xf: {  	vm5 =	vcmask $0x1714;
	v2 =	vsel vm2, $0x2480, v2;
	v1 =	vsel vm4, $0x2800, v1  }
0x10: {  	vm6 =	vcmask $0x1B18;
	v2 =	vsel vm3, $0x2680, v2;
	v1 =	vsel vm5, $0x2A00, v1  }
0x11: {  	v2 =	vsel vm4, $0x2880, v2;
	v1 =	vsel vm6, $0x2C00, v1  }
0x12: {  	[tilespmem:$0x1FFA0] =	vst v1;
	v1 =	vsel vm5, $0x2A80, v2  }
0x13: {  	v1 =	vsel vm6, $0x2C80, v1  }
0x14: {  	[tilespmem:$0x1FFB0] =	vst v1;
	v1 =	vimm.s32 $0x2F00  }
0x15: {  	v2 =	vimm.s32 $0x2F80;
	v1 =	vsel vm0, $0x2100, v1  }
0x16: {  	v2 =	vsel vm0, $0x2180, v2;
	v1 =	vsel vm1, $0x2300, v1  }
0x17: {  	v3 =	vimm.s32 $0xB80;
	v2 =	vsel vm1, $0x2380, v2;
	v1 =	vsel vm2, $0x2500, v1  }
0x18: {  	v3 =	vsel vm0, $0x800, v3;
	v2 =	vsel vm2, $0x2580, v2;
	v1 =	vsel vm3, $0x2700, v1  }
0x19: {  	v3 =	vsel vm1, $0x880, v3;
	v2 =	vsel vm3, $0x2780, v2;
	v1 =	vsel vm4, $0x2900, v1  }
0x1a: {  	v3 =	vsel vm2, $0x900, v3;
	v2 =	vsel vm4, $0x2980, v2;
	v1 =	vsel vm5, $0x2B00, v1  }
0x1b: {  	s6 =	srdreg.scid;
	s4 =	stileid.u32;
	v3 =	vsel vm3, $0x980, v3;
	v2 =	vsel vm5, $0x2B80, v2;
	v1 =	vsel vm6, $0x2D00, v1  }
0x1c: {  	s11 =	simm.s32 $0x7500;
	s6 =	sand.u32 $0x1, s6;
	s7 =	sshll.u32 s4, $0x1;
	v3 =	vsel vm4, $0xA00, v3;
	[tilespmem:$0x1FFC0] =	vst v1;
	v1 =	vsel vm6, $0x2D80, v2  }
0x1d: {  	s12 =	simm.s32 $0x8100;
	s7 =	sor.u32 s6, s7;
	s6 =	ssub.s32 $0x2, s6;
	[tilespmem:$0x1FFD0] =	vst v1;
	v1 =	vsel vm5, $0xA80, v3  }
0x1e: {  	s8 =	sshll.u32 s7, $0x4;
	s9 =	sshrl.u32 s6, $0x1;
	s10 =	smul.u32 $0x89D, s7;
	v1 =	vsel vm6, $0xB00, v1  }
0x1f: {  	vm15 =	vcmask $0x1F00;
	s13 =	simm.s32 $0x0;
	s8 =	sadd.s32 s8, s5;
	s9 =	ssub.s32 s6, s9;
	[tilespmem:$0x1FFE0] =	vst v1;
	v1 =	vimm.f32 $0.0e+00  }
0x20: {  	s6 =	sshll.u32 s7, $0x2;
	s5 =	sadd.s32 s5, s10;
	s7 =	sadd.s32 $0x11400, s8;
	v1 =	vsel vm15, $0x3F800000, v1  }
0x21: {  	s8 =	smax.u32 s9, $0x1;
	s9 =	simm.s32 $0x1;
	s10 =	simm.s32 $0x4500;
	v12 =	vpop (erf);
	[tilespmem:$0x1FFF0] =	vst v1  }
.LBB2_1:
0x22: {  	[tilespmem:s3], [sflag:$0x1] =	stream.linear.gather [hbm4b:s5+s3], $0x44E8, $0x38;
	[tilespmem:$0x8180] =	vst v63  }
0x23: {  	_ =	swait.ge [sflag:s9], $0x44E8  }
0x24: {  	[sflag:s9] =	ssyncset.done $0x0  }
0x25: {  	[sflag:s9] =	ssyncadd.s32 $0xFFFFBB18  }
0x26: {  	[tilespmem:s10], [sflag:$0x1] =	stream.linear.gather [hbm4b:s1+s3], $0x3000, $0x38;
	[tilespmem:$0x8180] =	vst v63  }
0x27: {  	_ =	swait.ge [sflag:s9], $0x3000  }
0x28: {  	[sflag:s9] =	ssyncset.done $0x0  }
0x29: {  	s15 =	simm.f32 $0.0e+00;
	s16 =	simm.f32 $0.0e+00;
	[sflag:s9] =	ssyncadd.s32 $0xFFFFD000  }
0x2a: {  	[tilespmem:s11], [sflag:$0x1] =	stream.linear.gather [hbm4b:s2+s3], $0xC00, $0x38;
	[tilespmem:$0x8180] =	vst v63  }
0x2b: {  	s14 =	simm.f32 $0.0e+00;
	s18 =	simm.f32 $0.0e+00;
	_ =	swait.ge [sflag:s9], $0xC00  }
0x2c: {  	s19 =	simm.f32 $0.0e+00;
	s20 =	simm.f32 $0.0e+00;
	[sflag:s9] =	ssyncset.done $0x0  }
0x2d: {  	s21 =	simm.f32 $0.0e+00;
	s17 =	simm.s32 $0x0;
	[sflag:s9] =	ssyncadd.s32 $0xFFFFF400  }
.LBB2_2:
0x2e: {  	v1 =	vld [tilespmem:$0x1FF50]  }
0x2f: {  	v2 =	vld [tilespmem:$0x1FF80]  }
0x30: {  	v3 =	vld [tilespmem:$0x1FF70]  }
0x31: {  	v4 =	vld [tilespmem:$0x1FF60]  }
0x32: {  	s24 =	sadd.s32 s6, s17  }
0x33: {  	v1 =	vor.u32 s24, v1  }
0x34: {  	v2 =	vor.u32 s24, v2  }
0x35: {  	v3 =	vor.u32 s24, v3  }
0x36: {  	v4 =	vor.u32 s24, v4;
	_ =	sdelay $0x1  }
0x37: {  	v1 =	vld.idx.msk [tilespmem:v1+s10+$0x0], $0xffff  }
0x38: {  	v5 =	vld.idx.msk [tilespmem:v2+s10+$0x0], $0xffff  }
0x39: {  	v3 =	vld.idx.msk [tilespmem:v3+s10+$0x0], $0xffff  }
0x3a: {  	v4 =	vld.idx.msk [tilespmem:v4+s10+$0x0], $0xffff;
	_ =	sdelay $0x2  }
0x3b: {  	v2 =	vadd.f32 v5, v1;
	_ =	sdelay $0x1  }
0x3c: {  	v6 =	vadd.f32 v4, v3;
	v2 =	vmul.f32 $5.000000000e-01, v2;
	_ =	sdelay $0x1  }
0x3d: {  	v6 =	vmul.f32 $5.000000000e-01, v6;
	v2 =	vmul.f32 $7.000000000e+00, v2;
	_ =	sdelay $0x1  }
0x3e: {  	v6 =	vmul.f32 $7.000000000e+00, v6;
	[tilespmem:$0x1FF30] =	vst v2;
	v2 =	vtrunc.f32 v2  }
0x3f: {  	v2 =	vcvt.f32.s32 v2  }
0x40: {  	[tilespmem:$0x1FF40] =	vst v6;
	v6 =	vtrunc.f32 v6  }
0x41: {  	v6 =	vcvt.f32.s32 v6;
	vm0 =	vgt.s32 v2, $0x0  }
0x42: {  	v2 =	vnsel vm0, $0x0, v2  }
0x43: {  	vm0 =	vgt.s32 v6, $0x0;
	v7 =	vmin.u32 v2, $0x6  }
0x44: {  	v2 =	vnsel vm0, $0x0, v6;
	v46 =	vmul.u32 $0x7, v7  }
0x45: {  	v8 =	vmin.u32 v2, $0x6  }
0x46: {  	v52 =	vadd.s32 v8, v46  }
0x47: {  	s23 =	smul.u32 $0x113A, s17;
	v2 =	vmul.u32 $0x5A, v52;
	_ =	sdelay $0x1  }
0x48: {  	v53 =	vadd.s32 s23, v2  }
0x49: {  	v2 =	vor.u32 $0x1, v53;
	_ =	sdelay $0x3  }
0x4a: {  	s22 =	simm.s32 $0x0  }
0x4b: {  	v19 =	vld.idx.msk [tilespmem:v2+s22+$0x0], $0xffff  }
0x4c: {  	v2 =	vld [tilespmem:$0x1FFA0]  }
0x4d: {  	v48 =	vld [tilespmem:$0x1FFD0];
	_ =	sdelay $0x1  }
0x4e: {  	v9 =	vld [tilespmem:$0x1FFB0]  }
0x4f: {  	v47 =	vadd.s32 $0x2, v53  }
0x50: {  	v13 =	vadd.s32 $0x3, v53;
	v23 =	vor.u32 s24, v2;
	v2 =	vld [tilespmem:$0x1FFC0]  }
0x51: {  	v22 =	vor.u32 s24, v48  }
0x52: {  	v28 =	vadd.s32 $0x8, v53  }
0x53: {  	v21 =	vor.u32 s24, v9;
	v20 =	vld.idx.msk [tilespmem:v53+s22+$0x0], $0xffff  }
0x54: {  	v18 =	vld.idx.msk [tilespmem:v47+s22+$0x0], $0xffff  }
0x55: {  	v17 =	vld.idx.msk [tilespmem:v13+s22+$0x0], $0xffff;
	v49 =	vor.u32 s24, v2  }
0x56: {  	v13 =	vld.idx.msk [tilespmem:v22+s10+$0x0], $0xffff  }
0x57: {  	v28 =	vld.idx.msk [tilespmem:v28+s22+$0x0], $0xffff  }
0x58: {  	v24 =	vsub.f32 v5, v1;
	v2 =	vld.idx.msk [tilespmem:v21+s10+$0x0], $0xffff  }
0x59: {  	v43 =	vld.idx.msk [tilespmem:v23+s10+$0x0], $0xffff  }
0x5a: {  	v33 =	vmax.f32 v24, $0.0e+00;
	v22 =	vcvt.s32.f32 v8;
	v44 =	vld.idx.msk [tilespmem:v49+s10+$0x0], $0xffff  }
0x5b: {  	v25 =	vcvt.s32.f32 v7;
	v50 =	vadd.s32 $0x5, v53;
	v51 =	vadd.s32 $0x6, v53  }
0x5c: {  	v54 =	vadd.s32 $0x7, v53;
	v27 =	vmul.f32 v18, v18;
	v21 =	vadd.f32 v22, v20  }
0x5d: {  	v31 =	vmul.f32 v17, v17;
	v45 =	vmul.f32 v28, v28;
	v29 =	vadd.f32 v13, v2  }
0x5e: {  	v23 =	vsub.f32 v4, v3;
	v30 =	vmul.f32 v21, v12;
	v21 =	vadd.f32 v25, v19  }
0x5f: {  	v27 =	vmul.f32 $5.000000000e-01, v27;
	v29 =	vmul.f32 $5.000000000e-01, v29;
	v32 =	vadd.f32 v44, v43  }
0x60: {  	v31 =	vmul.f32 $5.000000000e-01, v31;
	v26 =	vmax.f32 v23, $0.0e+00;
	v34 =	vmul.f32 v21, v12  }
0x61: {  	v35 =	vsub.f32 v30, v27;
	v21 =	vmul.f32 $7.000000000e+00, v29;
	v32 =	vmul.f32 $5.000000000e-01, v32  }
0x62: {  	v37 =	vmul.f32 v33, v26;
	v27 =	vadd.f32 v30, v27;
	v55 =	vsub.f32 v34, v31  }
0x63: {  	v31 =	vadd.f32 v34, v31;
	v29 =	vtrunc.f32 v21;
	v26 =	vmul.f32 $7.000000000e+00, v32  }
0x64: {  	v30 =	vmax.f32 v35, v3;
	v56 =	vmin.f32 v27, v4;
	v57 =	vcvt.f32.s32 v29  }
0x65: {  	v60 =	vsub.f32 v27, v35;
	v32 =	vsub.f32 v56, v30;
	v30 =	vtrunc.f32 v26  }
0x66: {  	v27 =	vld.idx.msk [tilespmem:v54+s22+$0x0], $0xffff;
	v36 =	vmax.f32 v55, v1;
	vm0 =	vgt.s32 v57, $0x0;
	v38 =	vcvt.f32.s32 v30  }
0x67: {  	v58 =	vmin.f32 v31, v5;
	v61 =	vsub.f32 v31, v55;
	v29 =	vld.idx.msk [tilespmem:v50+s22+$0x0], $0xffff;
	v34 =	vnsel vm0, $0x0, v57  }
0x68: {  	v6 =	vsub.f32 v58, v36;
	v39 =	vmin.u32 v34, $0x6;
	v30 =	vld.idx.msk [tilespmem:v51+s22+$0x0], $0xffff;
	vm0 =	vgt.s32 v38, $0x0  }
0x69: {  	v49 =	vmul.f32 $5.000000000e-01, v45;
	v62 =	vmul.u32 $0x7, v39;
	v31 =	vnsel vm0, $0x0, v38  }
0x6a: {  	v8 =	vmax.f32 v61, $0.0e+00;
	v6 =	vmax.f32 v6, $0.0e+00;
	v63 =	vmin.u32 v31, $0x6  }
0x6b: {  	v41 =	vmul.f32 v27, v27;
	v59 =	vmax.f32 v32, $0.0e+00;
	v54 =	vadd.s32 v63, v62  }
0x6c: {  	v32 =	vmax.f32 v60, $0.0e+00;
	v31 =	vadd.f32 v22, v29;
	v40 =	vmul.u32 $0x5A, v54  }
0x6d: {  	v8 =	vmul.f32 v8, v32;
	v6 =	vmul.f32 v6, v59;
	v42 =	vadd.f32 v25, v30  }
0x6e: {  	v46 =	vmul.f32 v31, v12;
	v31 =	vmul.f32 $5.000000000e-01, v41;
	v55 =	vadd.s32 s23, v40  }
0x6f: {  	v36 =	vcvt.s32.f32 v39;
	v48 =	vmul.f32 v42, v12;
	v47 =	vor.u32 $0x1, v55  }
0x70: {  	v40 =	vsub.f32 v46, v31;
	v7 =	vadd.f32 v31, v46;
	v50 =	vadd.s32 $0x2, v55  }
0x71: {  	v31 =	vadd.s32 $0x3, v55;
	v41 =	vsub.f32 v48, v49;
	v42 =	vadd.f32 v49, v48  }
0x72: {  	v57 =	vadd.s32 $0x5, v55;
	v58 =	vadd.s32 $0x6, v55;
	v45 =	vadd.s32 $0x7, v55  }
0x73: {  	v59 =	vadd.s32 $0x8, v55;
	v3 =	vmax.f32 v40, v3;
	v4 =	vmin.f32 v7, v4;
	v32 =	vld.idx.msk [tilespmem:v55+s22+$0x0], $0xffff  }
0x74: {  	v51 =	vsub.f32 v7, v40;
	v1 =	vmax.f32 v41, v1;
	v56 =	vsub.f32 v42, v41;
	v34 =	vld.idx.msk [tilespmem:v47+s22+$0x0], $0xffff  }
0x75: {  	v5 =	vmin.f32 v42, v5;
	v3 =	vsub.f32 v4, v3;
	v41 =	vsub.f32 v44, v43;
	v33 =	vld.idx.msk [tilespmem:v50+s22+$0x0], $0xffff  }
0x76: {  	v1 =	vsub.f32 v5, v1;
	v4 =	vmax.f32 v51, $0.0e+00;
	v5 =	vmax.f32 v56, $0.0e+00;
	v31 =	vld.idx.msk [tilespmem:v31+s22+$0x0], $0xffff  }
0x77: {  	v8 =	vadd.f32 v8, v37;
	v42 =	vsub.f32 v13, v2;
	v4 =	vmul.f32 v5, v4  }
0x78: {  	v35 =	vcvt.s32.f32 v63;
	v3 =	vmax.f32 v3, $0.0e+00;
	v9 =	vmax.f32 v41, $0.0e+00;
	v38 =	vld.idx.msk [tilespmem:v57+s22+$0x0], $0xffff  }
0x79: {  	v10 =	vmax.f32 v42, $0.0e+00;
	v1 =	vmax.f32 v1, $0.0e+00;
	v4 =	vadd.f32 v4, v37;
	v37 =	vld.idx.msk [tilespmem:v59+s22+$0x0], $0xffff  }
0x7a: {  	v39 =	vld.idx.msk [tilespmem:v45+s22+$0x0], $0xffff;
	v1 =	vmul.f32 v1, v3;
	v3 =	vadd.f32 v35, v32;
	v60 =	vmul.f32 v33, v33  }
0x7b: {  	v40 =	vld.idx.msk [tilespmem:v58+s22+$0x0], $0xffff;
	v5 =	vmul.f32 v10, v9;
	v61 =	vadd.f32 v36, v34;
	v62 =	vmul.f32 v31, v31  }
0x7c: {  	v3 =	vmul.f32 v3, v12;
	v46 =	vmul.f32 $5.000000000e-01, v60  }
0x7d: {  	v7 =	vmul.f32 v61, v12;
	v63 =	vmul.f32 $5.000000000e-01, v62  }
0x7e: {  	v58 =	vadd.f32 v35, v38;
	v51 =	vmul.f32 v37, v37;
	v47 =	vsub.f32 v3, v46  }
0x7f: {  	v59 =	vmul.f32 v39, v39;
	v3 =	vadd.f32 v3, v46;
	v48 =	vsub.f32 v7, v63  }
0x80: {  	v60 =	vadd.f32 v36, v40;
	v7 =	vadd.f32 v7, v63;
	v61 =	vmul.f32 $5.000000000e-01, v51  }
0x81: {  	v11 =	vmax.f32 v47, v43;
	v56 =	vmin.f32 v3, v44;
	v49 =	vmax.f32 v48, v2  }
0x82: {  	v50 =	vmin.f32 v7, v13;
	v3 =	vsub.f32 v3, v47;
	v7 =	vsub.f32 v7, v48  }
0x83: {  	v47 =	vmul.f32 v60, v12;
	v45 =	vsub.f32 v56, v11;
	v57 =	vsub.f32 v50, v49  }
0x84: {  	v49 =	vmul.f32 v58, v12;
	v50 =	vmul.f32 $5.000000000e-01, v59;
	v3 =	vmax.f32 v3, $0.0e+00  }
0x85: {  	v7 =	vmax.f32 v7, $0.0e+00;
	v63 =	vsub.f32 v47, v61;
	v47 =	vadd.f32 v61, v47  }
0x86: {  	v45 =	vmax.f32 v45, $0.0e+00;
	v62 =	vsub.f32 v49, v50;
	v49 =	vadd.f32 v50, v49  }
0x87: {  	v46 =	vmax.f32 v57, $0.0e+00;
	v3 =	vmul.f32 v7, v3;
	v48 =	vsub.f32 v47, v63  }
0x88: {  	v2 =	vmax.f32 v63, v2;
	v13 =	vmin.f32 v47, v13;
	v11 =	vsub.f32 v49, v62  }
0x89: {  	v9 =	vmax.f32 v62, v43;
	v10 =	vmin.f32 v49, v44;
	v2 =	vsub.f32 v13, v2  }
0x8a: {  	v7 =	vsub.f32 v10, v9;
	v49 =	vmax.f32 v48, $0.0e+00;
	v13 =	vmax.f32 v11, $0.0e+00  }
0x8b: {  	v8 =	vsub.f32 v8, v6;
	v45 =	vmul.f32 v46, v45;
	v13 =	vmul.f32 v49, v13  }
0x8c: {  	v3 =	vadd.f32 v3, v5;
	v2 =	vmax.f32 v2, $0.0e+00;
	v7 =	vmax.f32 v7, $0.0e+00  }
0x8d: {  	v4 =	vsub.f32 v4, v1;
	v2 =	vmul.f32 v2, v7;
	v5 =	vadd.f32 v13, v5  }
0x8e: {  	v8 =	vadd.f32 $9.999999970e-07, v8;
	v3 =	vsub.f32 v3, v45  }
0x8f: {  	v4 =	vadd.f32 $9.999999970e-07, v4;
	v5 =	vsub.f32 v5, v2  }
0x90: {  	(erf) = vrcp.f32 v8;
	v3 =	vadd.f32 $9.999999970e-07, v3  }
0x91: {  	(erf) = vrcp.f32 v4;
	v50 =	vadd.f32 $9.999999970e-07, v5  }
0x92: {  	(erf) = vrcp.f32 v3  }
0x93: {  	v56 =	vld [tilespmem:$0x1FFE0];
	(erf) = vrcp.f32 v50  }
0x94: {  	v3 =	vld [tilespmem:$0x1FF90];
	_ =	sdelay $0x3  }
0x95: {  	v5 =	vor.u32 s24, v56  }
0x96: {  	v51 =	vpop (erf);
	v3 =	vor.u32 s24, v3  }
0x97: {  	v57 =	vpop (erf)  }
0x98: {  	v43 =	vmul.f32 v51, v6;
	v44 =	vmul.f32 v57, v1;
	v1 =	vpop (erf)  }
0x99: {  	s25 =	simm.s32 $0xFFFFFFF0;
	v58 =	vimm.s32 $0x0;
	v63 =	vmul.u32 $0x50, v54;
	v45 =	vmul.f32 v1, v45;
	v1 =	vpop (erf)  }
0x9a: {  	v62 =	vshll.u32 v54, $0x1;
	vm8 =	vgt.f32 v44, v43;
	s24 =	smin.u32 s22, s25;
	v61 =	vld.idx.msk [tilespmem:v5+s11+$0x0], $0xffff;
	v46 =	vmul.f32 v1, v2  }
0x9b: {  	p0 =	por $0x1, $0x1;
	v59 =	vsel vm8, $0x1, v58;
	v60 =	vld.idx.msk [tilespmem:v3+s11+$0x0], $0xffff;
	v3 =	vshll.u32 v52, $0x1;
	v1 =	vmov s24  }
0x9c: {  	v2 =	vpsel p0, v52, v54;
	vm0 =	veq.s32 v1, v0;
	vm9 =	vgt.f32 v46, v45  }
0x9d: {  	v1 =	vor.u32 $0x80000000, v2;
	v2 =	vmul.u32 $0x50, v52;
	v6 =	vsel vm9, $0x1, v58  }
0x9e: {  	v1 =	vnsel vm0, $0x80000000, v1;
	v58 =	vor.u32 v59, v3;
	v59 =	vor.u32 v6, v62  }
0x9f: {  	(xrf0) =	vmax.scan.msk.u32 $0xffff, v1;
	v1 =	vpsel p0, v58, v59  }
0xa0: {  	v57 =	vadd.s32 v61, v63;
	v56 =	vadd.s32 v60, v2;
	v1 =	vor.u32 $0x80000000, v1  }
0xa1: {  	v2 =	vpsel p0, v56, v57;
	v1 =	vnsel vm0, $0x80000000, v1  }
0xa2: {  	v2 =	vxor.u32 $0x80000000, v2;
	(xrf0) =	vmax.scan.msk.u32 $0xffff, v1  }
0xa3: {  	v2 =	vnsel vm0, $0x80000000, v2  }
0xa4: {  	(xrf0) =	vmax.scan.msk.u32 $0xffff, v2  }
0xa5: {  	s26 =	simm.s32 $0xFFFFFFF1;
	s25 =	simm.s32 $0x1  }
0xa6: {  	s24 =	smin.u32 s25, s26  }
0xa7: {  	p5 =	por $0x1, $0x1;
	v9 =	vmov s24;
	v1, _, _ =	vpop (xrf0)  }
0xa8: {  	v10 =	vpsel p5, v52, v54;
	vm0 =	veq.s32 v9, v0;
	(v2sf) =	vpush v1, $0xF;
	v1, _, _ =	vpop (xrf0)  }
0xa9: {  	v2 =	vpsel p5, v58, v59;
	(v2sf) =	vpush v1, $0xF;
	v1 =	vor.u32 $0x80000000, v10  }
0xaa: {  	s26 =	simm.s32 $0xFFFFFFF2;
	s24 =	simm.s32 $0x2;
	v2 =	vor.u32 $0x80000000, v2;
	v3, _, _ =	vpop (xrf0);
	v1 =	vnsel vm0, $0x80000000, v1  }
0xab: {  	p6 =	por $0x1, $0x1;
	s26 =	smin.u32 s24, s26;
	(v2sf) =	vpush v3, $0xF;
	v3 =	vpsel p5, v56, v57;
	(xrf0) =	vmax.scan.msk.u32 $0xffff, v1;
	v1 =	vnsel vm0, $0x80000000, v2  }
0xac: {  	v2 =	vxor.u32 $0x80000000, v3;
	v3 =	vpsel p6, v52, v54;
	(xrf0) =	vmax.scan.msk.u32 $0xffff, v1;
	v1 =	vmov s26  }
0xad: {  	v2 =	vnsel vm0, $0x80000000, v2;
	vm0 =	veq.s32 v1, v0;
	v1 =	vor.u32 $0x80000000, v3  }
0xae: {  	v1 =	vnsel vm0, $0x80000000, v1;
	_ =	sdelay $0x1  }
0xaf: {  	(xrf0) =	vmax.scan.msk.u32 $0xffff, v2  }
0xb0: {  	(xrf0) =	vmax.scan.msk.u32 $0xffff, v1;
	v1, _, _ =	vpop (xrf0)  }
0xb1: {  	(v2sf) =	vpush v1, $0xF  }
0xb2: {  	vm4 =	vmxor vm4, vm4  }
0xb3: {  	vm15 =	vmmov vm4;
	v51 =	vmov s22  }
0xb4: {  	v47 =	vmov s23;
	vm3 =	vgt.u32 v51, v0;
	vm12 =	vlt.u32 v51, v0  }
0xb5: {  	v11 =	vadd.s32 $0x4, v55;
	v62 =	vor.u32 $0x10, v0;
	v50 =	vpsel p6, v58, v59  }
0xb6: {  	v63 =	vpsel p6, v56, v57;
	vm1 =	vlt.u32 v51, v62;
	v5 =	vor.u32 $0x80000000, v50;
	v1, _, _ =	vpop (xrf0)  }
0xb7: {  	v2 =	vadd.s32 $0x4, v53;
	v5 =	vnsel vm0, $0x80000000, v5;
	s28 =	spop (v2sf);
	(v2sf) =	vpush v1, $0xF;
	v1, _, _ =	vpop (xrf0)  }
0xb8: {  	v3 =	vadd.s32 $0x9, v53;
	(xrf0) =	vmax.scan.msk.u32 $0xffff, v5;
	v5 =	vxor.u32 $0x80000000, v63;
	s23 =	sxor.u32 $0x80000000, s28;
	(v2sf) =	vpush v1, $0xF;
	v1, _, _ =	vpop (xrf0)  }
0xb9: {  	v5 =	vnsel vm0, $0x80000000, v5;
	vm2 =	veq.s32 v54, s23;
	(v2sf) =	vpush v1, $0xF  }
0xba: {  	(xrf0) =	vmax.scan.msk.u32 $0xffff, v5;
	v1 =	vadd.s32 $0x9, v55;
	vm0 =	veq.s32 v52, s23;
	vm2 =	vmand vm1, vm2;
	s29 =	spop (v2sf)  }
0xbb: {  	vm10 =	vgt.u32 v51, v62;
	vm0 =	vmand vm12, vm0;
	vm13 =	vmor vm4, vm2;
	s30 =	sxor.u32 $0x80000000, s29;
	s31 =	spop (v2sf)  }
0xbc: {  	v49 =	vld.idx.msk [tilespmem:v11+s22+$0x0], $0xffff;
	vm11 =	vmor vm4, vm0;
	s26 =	sxor.u32 $0x80000000, s31;
	vm2 =	veq.s32 v58, s30;
	vm14 =	veq.s32 v59, s30  }
0xbd: {  	v48 =	vld.idx.msk [tilespmem:v2+s22+$0x0], $0xffff;
	vm2 =	vmand vm3, vm2;
	vm0 =	veq.s32 v56, s26;
	vm3 =	veq.s32 v57, s26  }
0xbe: {  	p1 =	por $0x1, $0x1;
	v50 =	vld.idx.msk [tilespmem:v3+s22+$0x0], $0xffff;
	vm10 =	vmand vm10, vm14;
	vm14 =	vmmov vm4;
	vm0 =	vmand vm12, vm0  }
0xbf: {  	s23 =	simm.s32 $0x3;
	v51 =	vld.idx.msk [tilespmem:v1+s22+$0x0], $0xffff;
	s26 =	simm.s32 $0xFFFFFFF3;
	s22 =	simm.s32 $0x4;
	v1, _, _ =	vpop (xrf0);
	vm12 =	vmor vm4, vm2;
	vm10 =	vmor vm4, vm10;
	vm1 =	vmand vm1, vm3  }
.LBB2_3:
0xc0: {  	p0 =	sne.s32 s22, $0x17;
	s26 =	smin.u32 s23, s26;
	v2 =	vpsel p1, v58, v59;
	v3, _, _ =	vpop (xrf0);
	v4 =	vmov s25;
	s25 =	spop (v2sf)  }
0xc1: {  	v6 =	vpsel p1, v52, v54;
	v5 =	vmov s26;
	s26 =	sxor.u32 $0x80000000, s25;
	vm2 =	vlt.u32 v4, v62;
	s25 =	smov.u32 s24;
	s24 =	smov.u32 s23  }
0xc2: {  	s23 =	smov.u32 s22;
	vm3 =	veq.s32 v5, v0;
	v5 =	vor.u32 $0x80000000, v6;
	vm4 =	veq.s32 v54, s26  }
0xc3: {  	v6 =	vpsel p1, v56, v57;
	v5 =	vnsel vm3, $0x80000000, v5;
	vm4 =	vmand vm2, vm4  }
0xc4: {  	v2 =	vor.u32 $0x80000000, v2;
	v6 =	vxor.u32 $0x80000000, v6;
	(xrf0) =	vmax.scan.msk.u32 $0xffff, v5;
	vm13 =	vmor vm13, vm4  }
0xc5: {  	v2 =	vnsel vm3, $0x80000000, v2;
	v5 =	vnsel vm3, $0x80000000, v6;
	(v2sf) =	vpush v1, $0xF  }
0xc6: {  	vm3 =	vgt.u32 v4, v0;
	vm4 =	veq.s32 v52, s26;
	(xrf0) =	vmax.scan.msk.u32 $0xffff, v2;
	(v2sf) =	vpush v3, $0xF  }
0xc7: {  	vm15 =	vmor vm15, vm0;
	vm5 =	vgt.u32 v4, v62;
	vm6 =	vlt.u32 v4, v0;
	(xrf0) =	vmax.scan.msk.u32 $0xffff, v5;
	s26 =	spop (v2sf)  }
.Ltmp0:
0xc8: {  	vm14 =	vmor vm14, vm1;
	vm0 =	vmand vm6, vm4;
	s26 =	sxor.u32 $0x80000000, s26;
	s28 =	spop (v2sf);
	(pc) =	sbr.rel @p0 .LBB2_3-.Ltmp0, $4  }
0xc9: {  	vm11 =	vmor vm11, vm0;
	s28 =	sxor.u32 $0x80000000, s28;
	vm1 =	veq.s32 v58, s26;
	vm4 =	veq.s32 v59, s26  }
0xca: {  	v1, _, _ =	vpop (xrf0);
	vm1 =	vmand vm3, vm1;
	vm0 =	veq.s32 v56, s28;
	vm3 =	veq.s32 v57, s28  }
0xcb: {  	vm4 =	vmand vm5, vm4;
	(v2sf) =	vpush v1, $0xF;
	vm0 =	vmand vm6, vm0  }
0xcc: {  	s22 =	sadd.s32 $0x1, s22;
	p1 =	slt.u32 s23, $0x10;
	s26 =	sadd.s32 $0xFFFFFFF0, s23;
	vm12 =	vmor vm12, vm1;
	vm10 =	vmor vm10, vm4;
	vm1 =	vmand vm2, vm3;
	v1, _, _ =	vpop (xrf0)  }
0xcd: {  	s22 =	smin.u32 s23, s26  }
0xce: {  	v3 =	vpsel p1, v52, v54;
	v2 =	vmov s22  }
0xcf: {  	vm3 =	veq.s32 v2, v0;
	v2 =	vor.u32 $0x80000000, v3  }
0xd0: {  	v2 =	vnsel vm3, $0x80000000, v2  }
0xd1: {  	(xrf0) =	vmax.scan.msk.u32 $0xffff, v2  }
0xd2: {  	(v2sf) =	vpush v1, $0xF;
	v1 =	vpsel p1, v58, v59;
	vm0 =	vmor vm15, vm0  }
0xd3: {  	s30 =	spop (v2sf);
	vm1 =	vmor vm14, vm1;
	v7 =	vadd.s32 $0xA, v55;
	v1 =	vor.u32 $0x80000000, v1  }
0xd4: {  	s22 =	sxor.u32 $0x80000000, s30;
	v4 =	vadd.s32 v61, v7;
	v61 =	vimm.f32 $0.0e+00;
	v1 =	vnsel vm3, $0x80000000, v1  }
0xd5: {  	v3 =	vpsel p1, v56, v57;
	vm4 =	veq.s32 v54, s22;
	vm5 =	veq.s32 v52, s22;
	v2, _, _ =	vpop (xrf0)  }
0xd6: {  	v3 =	vxor.u32 $0x80000000, v3;
	(xrf0) =	vmax.scan.msk.u32 $0xffff, v1;
	(v2sf) =	vpush v2, $0xF;
	v2 =	vmov s25;
	s31 =	spop (v2sf)  }
0xd7: {  	v3 =	vnsel vm3, $0x80000000, v3;
	vm2 =	vlt.u32 v2, v62;
	vm6 =	vgt.u32 v2, v62;
	s26 =	sxor.u32 $0x80000000, s31;
	v1, _, _ =	vpop (xrf0)  }
0xd8: {  	vm4 =	vmand vm2, vm4;
	vm14 =	veq.s32 v58, s26;
	(v2sf) =	vpush v1, $0xF  }
0xd9: {  	s28 =	spop (v2sf);
	vm15 =	veq.s32 v59, s26;
	vm3 =	vmor vm13, vm4;
	vm4 =	vgt.u32 v2, v0;
	(xrf0) =	vmax.scan.msk.u32 $0xffff, v3  }
0xda: {  	s25 =	sxor.u32 $0x80000000, s28;
	vm13 =	vlt.u32 v2, v0;
	vm6 =	vmand vm6, vm15;
	v2 =	vmov s24  }
0xdb: {  	vm5 =	vmand vm13, vm5;
	vm4 =	vmand vm4, vm14;
	vm14 =	veq.s32 v57, s25  }
0xdc: {  	vm6 =	vmor vm10, vm6;
	vm7 =	vgt.u32 v2, v62;
	vm11 =	vmor vm11, vm5;
	v1, _, _ =	vpop (xrf0)  }
0xdd: {  	vm5 =	veq.s32 v56, s25;
	vm4 =	vmor vm12, vm4;
	s29 =	spop (v2sf);
	(v2sf) =	vpush v1, $0xF  }
0xde: {  	vm2 =	vmand vm2, vm14;
	s25 =	simm.s32 $0x0;
	vm5 =	vmand vm13, vm5;
	vm13 =	vlt.u32 v2, v62;
	s22 =	sxor.u32 $0x80000000, s29  }
0xdf: {  	v5 =	vadd.s32 s25, v7;
	vm14 =	vmor vm0, vm5;
	vm15 =	veq.s32 v54, s22;
	v1, _, _ =	vpop (xrf0)  }
0xe0: {  	v8 =	vor.u32 $0x1, v5;
	vm12 =	vmand vm13, vm15;
	(v2sf) =	vpush v1, $0xF  }
0xe1: {  	vm15 =	vlt.u32 v2, v0;
	vm10 =	vmor vm3, vm12;
	vm3 =	vgt.u32 v2, v0  }
0xe2: {  	s30 =	spop (v2sf);
	vm12 =	veq.s32 v52, s22;
	v1 =	vadd.s32 $0xA, v53;
	v2 =	vmov s23  }
0xe3: {  	s22 =	sxor.u32 $0x80000000, s30;
	vm0 =	vmand vm15, vm12;
	vm12 =	vmor vm1, vm2;
	v3 =	vadd.s32 v60, v1  }
0xe4: {  	s30 =	simm.s32 $0x4;
	vm5 =	veq.s32 v58, s22;
	vm2 =	veq.s32 v59, s22;
	v6 =	vadd.s32 s25, v1  }
0xe5: {  	v55 =	vadd.s32 s30, v7;
	vm11 =	vmor vm11, vm0;
	vm0 =	vmand vm3, vm5;
	s31 =	spop (v2sf)  }
0xe6: {  	vm2 =	vmand vm7, vm2;
	vm7 =	vgt.u32 v2, v62;
	v13 =	vadd.s32 $0x2, v6;
	s24 =	sxor.u32 $0x80000000, s31  }
0xe7: {  	v8 =	vld.idx.msk [tilespmem:v8+s3+$0x0], $0xffff;
	vm0 =	vmor vm4, vm0;
	vm1 =	veq.s32 v56, s24;
	vm3 =	veq.s32 v57, s24;
	s24 =	spop (v2sf)  }
0xe8: {  	v53 =	vld.idx.msk [tilespmem:v3+s25+$0x0], $0xffff;
	v3 =	vadd.s32 $0x2, v5;
	vm5 =	vmand vm15, vm1;
	vm1 =	vmor vm6, vm2;
	s22 =	sxor.u32 $0x80000000, s24  }
0xe9: {  	vm2 =	vlt.u32 v2, v62;
	vm3 =	vmand vm13, vm3;
	vm4 =	veq.s32 v54, s22  }
0xea: {  	vm13 =	vlt.u32 v2, v0;
	vm6 =	veq.s32 v52, s22;
	v52 =	vld.idx.msk [tilespmem:v4+s25+$0x0], $0xffff;
	vm4 =	vmand vm2, vm4  }
0xeb: {  	v4 =	vld.idx.msk [tilespmem:v5+s3+$0x0], $0xffff;
	vm10 =	vmor vm10, vm4;
	vm4 =	vgt.u32 v2, v0;
	v2 =	vor.u32 $0x1, v6  }
0xec: {  	v11 =	vadd.s32 $0x2, v55;
	v8 =	vmul.f32 v8, v8;
	vm5 =	vmor vm14, vm5;
	s26 =	spop (v2sf);
	v54 =	vld.idx.msk [tilespmem:v6+s3+$0x0], $0xffff  }
0xed: {  	vm3 =	vmor vm12, vm3;
	v5 =	vadd.s32 $0x3, v5;
	v3 =	vld.idx.msk [tilespmem:v3+s3+$0x0], $0xffff;
	s22 =	sxor.u32 $0x80000000, s26;
	vm6 =	vmand vm13, vm6  }
0xee: {  	vm12 =	veq.s32 v58, s22;
	vm14 =	veq.s32 v59, s22;
	vm11 =	vmor vm11, vm6  }
0xef: {  	v6 =	vadd.s32 $0x3, v6;
	vm4 =	vmand vm4, vm12;
	vm7 =	vmand vm7, vm14;
	s28 =	spop (v2sf)  }
0xf0: {  	v59 =	vor.u32 $0x1, v55;
	vm14 =	vmor vm0, vm4;
	vm15 =	vmor vm1, vm7;
	s29 =	sxor.u32 $0x80000000, s28;
	v2 =	vld.idx.msk [tilespmem:v2+s3+$0x0], $0xffff  }
0xf1: {  	v62 =	vld.idx.msk [tilespmem:v13+s3+$0x0], $0xffff;
	v4 =	vmul.f32 v4, v4;
	vm12 =	veq.s32 v57, s29;
	v57 =	vadd.s32 s30, v1  }
0xf2: {  	s31 =	simm.s32 $0x8;
	v10 =	vld.idx.msk [tilespmem:v5+s3+$0x0], $0xffff;
	v5 =	vmul.f32 v54, v54;
	v3 =	vmul.f32 v3, v3;
	v9 =	vor.u32 $0x1, v57  }
0xf3: {  	v58 =	vld.idx.msk [tilespmem:v55+s3+$0x0], $0xffff;
	v54 =	vadd.s32 s31, v1;
	vm6 =	veq.s32 v56, s29;
	v56 =	vadd.s32 $0x3, v55  }
0xf4: {  	v55 =	vadd.s32 s31, v7;
	vm6 =	vmand vm13, vm6;
	v60 =	vld.idx.msk [tilespmem:v6+s3+$0x0], $0xffff;
	v13 =	vadd.s32 $0x2, v57  }
0xf5: {  	v5 =	vadd.f32 v5, v61;
	v4 =	vadd.f32 v4, v61;
	v59 =	vld.idx.msk [tilespmem:v59+s3+$0x0], $0xffff;
	v6 =	vmul.f32 v2, v2  }
0xf6: {  	vm4 =	vmand vm2, vm12;
	vm13 =	vmor vm5, vm6;
	v63 =	vld.idx.msk [tilespmem:v57+s3+$0x0], $0xffff;
	v2 =	vadd.s32 $0x3, v57  }
0xf7: {  	v61 =	vld.idx.msk [tilespmem:v9+s3+$0x0], $0xffff;
	v6 =	vadd.f32 v6, v5;
	v5 =	vadd.f32 v8, v4;
	v8 =	vmul.f32 v62, v62  }
0xf8: {  	s22 =	simm.s32 $0xC;
	vm12 =	vmor vm3, vm4;
	v57 =	vor.u32 $0x1, v55;
	v62 =	vld.idx.msk [tilespmem:v11+s3+$0x0], $0xffff;
	v4 =	vmul.f32 v10, v10  }
.LBB2_5:
0xf9: {  	p0 =	sne.s32 s22, $0x4C;
	v9 =	vld.idx.msk [tilespmem:v13+s3+$0x0], $0xffff;
	v6 =	vadd.f32 v8, v6;
	v3 =	vadd.f32 v3, v5;
	v5 =	vmul.f32 v60, v60  }
0xfa: {  	v8 =	vor.u32 $0x1, v54;
	v10 =	vadd.s32 $0x2, v55;
	v11 =	vmul.f32 v58, v58;
	v14 =	vld.idx.msk [tilespmem:v56+s3+$0x0], $0xffff  }
0xfb: {  	v15 =	vmul.f32 v63, v63;
	v60 =	vld.idx.msk [tilespmem:v2+s3+$0x0], $0xffff;
	v2 =	vadd.f32 v5, v6;
	v3 =	vadd.f32 v4, v3  }
.Ltmp1:
0xfc: {  	v13 =	vadd.s32 $0x2, v54;
	v56 =	vadd.s32 $0x3, v55;
	v4 =	vmul.f32 v59, v59;
	v58 =	vld.idx.msk [tilespmem:v55+s3+$0x0], $0xffff;
	(pc) =	sbr.rel @p0 .LBB2_5-.Ltmp1, $4  }
0xfd: {  	v6 =	vmul.f32 v61, v61;
	v63 =	vld.idx.msk [tilespmem:v54+s3+$0x0], $0xffff;
	v5 =	vadd.f32 v15, v2;
	v11 =	vadd.f32 v11, v3  }
0xfe: {  	v55 =	vadd.s32 s22, v7;
	v2 =	vadd.s32 $0x3, v54;
	v3 =	vmul.f32 v62, v62;
	v59 =	vld.idx.msk [tilespmem:v57+s3+$0x0], $0xffff  }
0xff: {  	v61 =	vld.idx.msk [tilespmem:v8+s3+$0x0], $0xffff;
	v6 =	vadd.f32 v6, v5;
	v5 =	vadd.f32 v4, v11;
	v8 =	vmul.f32 v9, v9  }
0x100: {  	v54 =	vadd.s32 s22, v1;
	s22 =	sadd.s32 $0x4, s22;
	v57 =	vor.u32 $0x1, v55;
	v4 =	vmul.f32 v14, v14;
	v62 =	vld.idx.msk [tilespmem:v10+s3+$0x0], $0xffff  }
0x101: {  	v1 =	vadd.f32 $1.000000000e+00, v23;
	_ =	sdelay $0x1  }
0x102: {  	v1 =	vmul.f32 $5.000000000e-01, v1;
	_ =	sdelay $0x1  }
0x103: {  	(erf) = vrcp.f32 v1;
	_ =	sdelay $0x8  }
0x104: {  	v7 =	vpop (erf)  }
0x105: {  	v7 =	vmul.f32 v7, v23;
	_ =	sdelay $0x1  }
0x106: {  	v1 =	vadd.f32 v7, v1;
	_ =	sdelay $0x1  }
0x107: {  	v1 =	vmul.f32 $5.000000000e-01, v1;
	_ =	sdelay $0x1  }
0x108: {  	(erf) = vrcp.f32 v1;
	_ =	sdelay $0x8  }
0x109: {  	v11 =	vpop (erf)  }
0x10a: {  	v7 =	vmul.f32 v11, v23;
	_ =	sdelay $0x1  }
0x10b: {  	v1 =	vadd.f32 v7, v1;
	_ =	sdelay $0x1  }
0x10c: {  	v1 =	vmul.f32 $5.000000000e-01, v1;
	_ =	sdelay $0x1  }
0x10d: {  	(erf) = vrcp.f32 v1;
	_ =	sdelay $0x8  }
0x10e: {  	v16 =	vpop (erf)  }
0x10f: {  	v7 =	vmul.f32 v16, v23;
	_ =	sdelay $0x1  }
0x110: {  	v1 =	vadd.f32 v7, v1;
	_ =	sdelay $0x1  }
0x111: {  	v1 =	vmul.f32 $5.000000000e-01, v1;
	_ =	sdelay $0x1  }
0x112: {  	(erf) = vrcp.f32 v1;
	_ =	sdelay $0x8  }
0x113: {  	v9 =	vpop (erf)  }
0x114: {  	v7 =	vmul.f32 v9, v23;
	_ =	sdelay $0x1  }
0x115: {  	v1 =	vadd.f32 v7, v1;
	_ =	sdelay $0x1  }
0x116: {  	v1 =	vmul.f32 $5.000000000e-01, v1;
	_ =	sdelay $0x1  }
0x117: {  	(erf) = vrcp.f32 v1;
	_ =	sdelay $0x8  }
0x118: {  	v10 =	vpop (erf)  }
0x119: {  	v7 =	vmul.f32 v10, v23;
	_ =	sdelay $0x1  }
0x11a: {  	v1 =	vadd.f32 v7, v1  }
0x11b: {  	v11 =	vadd.f32 $1.000000000e+00, v24  }
0x11c: {  	v1 =	vmul.f32 $5.000000000e-01, v1  }
0x11d: {  	v9 =	vmul.f32 $5.000000000e-01, v11  }
0x11e: {  	(erf) = vrcp.f32 v1  }
0x11f: {  	(erf) = vrcp.f32 v9;
	_ =	sdelay $0x7  }
0x120: {  	v7 =	vpop (erf)  }
0x121: {  	v10 =	vpop (erf)  }
0x122: {  	v10 =	vmul.f32 v10, v24;
	_ =	sdelay $0x1  }
0x123: {  	v9 =	vadd.f32 v10, v9;
	_ =	sdelay $0x1  }
0x124: {  	v9 =	vmul.f32 $5.000000000e-01, v9;
	_ =	sdelay $0x1  }
0x125: {  	(erf) = vrcp.f32 v9;
	_ =	sdelay $0x8  }
0x126: {  	v16 =	vpop (erf)  }
0x127: {  	v10 =	vmul.f32 v16, v24;
	_ =	sdelay $0x1  }
0x128: {  	v9 =	vadd.f32 v10, v9;
	_ =	sdelay $0x1  }
0x129: {  	v9 =	vmul.f32 $5.000000000e-01, v9;
	_ =	sdelay $0x1  }
0x12a: {  	(erf) = vrcp.f32 v9;
	_ =	sdelay $0x8  }
0x12b: {  	v16 =	vpop (erf)  }
0x12c: {  	v10 =	vmul.f32 v16, v24;
	_ =	sdelay $0x1  }
0x12d: {  	v9 =	vadd.f32 v10, v9;
	_ =	sdelay $0x1  }
0x12e: {  	v9 =	vmul.f32 $5.000000000e-01, v9;
	_ =	sdelay $0x1  }
0x12f: {  	(erf) = vrcp.f32 v9;
	_ =	sdelay $0x8  }
0x130: {  	v16 =	vpop (erf)  }
0x131: {  	v10 =	vmul.f32 v16, v24;
	_ =	sdelay $0x1  }
0x132: {  	v9 =	vadd.f32 v10, v9;
	_ =	sdelay $0x1  }
0x133: {  	v9 =	vmul.f32 $5.000000000e-01, v9;
	_ =	sdelay $0x1  }
0x134: {  	(erf) = vrcp.f32 v9;
	_ =	sdelay $0x8  }
0x135: {  	v16 =	vpop (erf)  }
0x136: {  	v10 =	vmul.f32 v16, v24;
	_ =	sdelay $0x1  }
0x137: {  	v9 =	vadd.f32 v10, v9  }
0x138: {  	v16 =	vadd.f32 $1.000000000e+00, v41  }
0x139: {  	v9 =	vmul.f32 $5.000000000e-01, v9  }
0x13a: {  	v10 =	vmul.f32 $5.000000000e-01, v16  }
0x13b: {  	(erf) = vrcp.f32 v9  }
0x13c: {  	(erf) = vrcp.f32 v10;
	_ =	sdelay $0x7  }
0x13d: {  	v11 =	vpop (erf)  }
0x13e: {  	v14 =	vpop (erf)  }
0x13f: {  	v14 =	vmul.f32 v14, v41;
	_ =	sdelay $0x1  }
0x140: {  	v10 =	vadd.f32 v14, v10;
	_ =	sdelay $0x1  }
0x141: {  	v10 =	vmul.f32 $5.000000000e-01, v10;
	_ =	sdelay $0x1  }
0x142: {  	(erf) = vrcp.f32 v10;
	_ =	sdelay $0x8  }
0x143: {  	v14 =	vpop (erf)  }
0x144: {  	v14 =	vmul.f32 v14, v41;
	_ =	sdelay $0x1  }
0x145: {  	v10 =	vadd.f32 v14, v10;
	_ =	sdelay $0x1  }
0x146: {  	v10 =	vmul.f32 $5.000000000e-01, v10;
	_ =	sdelay $0x1  }
0x147: {  	(erf) = vrcp.f32 v10;
	_ =	sdelay $0x8  }
0x148: {  	v14 =	vpop (erf)  }
0x149: {  	v14 =	vmul.f32 v14, v41;
	_ =	sdelay $0x1  }
0x14a: {  	v10 =	vadd.f32 v14, v10;
	_ =	sdelay $0x1  }
0x14b: {  	v10 =	vmul.f32 $5.000000000e-01, v10;
	_ =	sdelay $0x1  }
0x14c: {  	(erf) = vrcp.f32 v10;
	_ =	sdelay $0x8  }
0x14d: {  	v14 =	vpop (erf)  }
0x14e: {  	v14 =	vmul.f32 v14, v41;
	_ =	sdelay $0x1  }
0x14f: {  	v10 =	vadd.f32 v14, v10;
	_ =	sdelay $0x1  }
0x150: {  	v10 =	vmul.f32 $5.000000000e-01, v10;
	_ =	sdelay $0x1  }
0x151: {  	(erf) = vrcp.f32 v10;
	_ =	sdelay $0x8  }
0x152: {  	v14 =	vpop (erf)  }
0x153: {  	v14 =	vmul.f32 v14, v41;
	_ =	sdelay $0x1  }
0x154: {  	v10 =	vadd.f32 v14, v10  }
0x155: {  	v14 =	vadd.f32 $1.000000000e+00, v42  }
0x156: {  	v10 =	vmul.f32 $5.000000000e-01, v10  }
0x157: {  	v14 =	vmul.f32 $5.000000000e-01, v14  }
0x158: {  	(erf) = vrcp.f32 v10  }
0x159: {  	(erf) = vrcp.f32 v14;
	_ =	sdelay $0x7  }
0x15a: {  	v15 =	vpop (erf)  }
0x15b: {  	v16 =	vpop (erf)  }
0x15c: {  	v16 =	vmul.f32 v16, v42;
	_ =	sdelay $0x1  }
0x15d: {  	v14 =	vadd.f32 v16, v14;
	_ =	sdelay $0x1  }
0x15e: {  	v14 =	vmul.f32 $5.000000000e-01, v14;
	_ =	sdelay $0x1  }
0x15f: {  	(erf) = vrcp.f32 v14;
	_ =	sdelay $0x8  }
0x160: {  	v16 =	vpop (erf)  }
0x161: {  	v16 =	vmul.f32 v16, v42;
	_ =	sdelay $0x1  }
0x162: {  	v14 =	vadd.f32 v16, v14;
	_ =	sdelay $0x1  }
0x163: {  	v14 =	vmul.f32 $5.000000000e-01, v14;
	_ =	sdelay $0x1  }
0x164: {  	(erf) = vrcp.f32 v14;
	_ =	sdelay $0x8  }
0x165: {  	v16 =	vpop (erf)  }
0x166: {  	v16 =	vmul.f32 v16, v42;
	_ =	sdelay $0x1  }
0x167: {  	v14 =	vadd.f32 v16, v14;
	_ =	sdelay $0x1  }
0x168: {  	v14 =	vmul.f32 $5.000000000e-01, v14;
	_ =	sdelay $0x1  }
0x169: {  	(erf) = vrcp.f32 v14;
	_ =	sdelay $0x8  }
0x16a: {  	v16 =	vpop (erf)  }
0x16b: {  	v16 =	vmul.f32 v16, v42;
	_ =	sdelay $0x1  }
0x16c: {  	v14 =	vadd.f32 v16, v14;
	_ =	sdelay $0x1  }
0x16d: {  	v14 =	vmul.f32 $5.000000000e-01, v14;
	_ =	sdelay $0x1  }
0x16e: {  	v6 =	vadd.f32 v8, v6;
	v60 =	vmul.f32 v60, v60;
	(erf) = vrcp.f32 v14  }
0x16f: {  	v3 =	vadd.f32 v3, v5  }
0x170: {  	v5 =	vld.idx.msk [tilespmem:v13+s3+$0x0], $0xffff;
	v13 =	vmul.f32 v63, v63;
	v6 =	vadd.f32 v60, v6  }
0x171: {  	v8 =	vor.u32 $0x1, v54;
	v3 =	vadd.f32 v4, v3;
	v16 =	vmul.f32 v58, v58  }
0x172: {  	v19 =	vsel vm8, v30, v19;
	v30 =	vsel vm9, v40, v34;
	v63 =	vadd.f32 v13, v6;
	v13 =	vld.idx.msk [tilespmem:v56+s3+$0x0], $0xffff  }
0x173: {  	v60 =	vmul.f32 v61, v61;
	v58 =	vmul.f32 v59, v59;
	v3 =	vadd.f32 v16, v3  }
0x174: {  	v34 =	vsel vm9, v37, v31;
	v37 =	vmul.u32 $0x5A, v0;
	v6 =	vld.idx.msk [tilespmem:v55+s3+$0x0], $0xffff;
	v16 =	vadd.s32 $0x2, v55  }
0x175: {  	v2 =	vld.idx.msk [tilespmem:v2+s3+$0x0], $0xffff;
	v4 =	vadd.f32 v60, v63;
	v60 =	vmul.f32 v62, v62;
	v3 =	vadd.f32 v58, v3  }
0x176: {  	vm1 =	vmneg vm15;
	vm0 =	vmmov $0xff;
	vm2 =	vmneg vm12;
	v62 =	vld.idx.msk [tilespmem:v57+s3+$0x0], $0xffff  }
0x177: {  	v56 =	vadd.s32 $0x2, v54;
	v13 =	vmul.f32 v13, v13;
	v3 =	vadd.f32 v60, v3;
	v61 =	vpop (erf)  }
0x178: {  	v5 =	vmul.f32 v5, v5;
	v63 =	vadd.s32 $0x3, v55;
	v59 =	vld.idx.msk [tilespmem:v54+s3+$0x0], $0xffff;
	v58 =	vmul.f32 v61, v42  }
0x179: {  	vm3 =	vmneg vm10;
	v6 =	vmul.f32 v6, v6;
	v57 =	vld.idx.msk [tilespmem:v16+s3+$0x0], $0xffff;
	v3 =	vadd.f32 v13, v3  }
0x17a: {  	v2 =	vmul.f32 v2, v2;
	v4 =	vadd.f32 v5, v4;
	v16 =	vld [tilespmem:$0x1FF40];
	v14 =	vadd.f32 v58, v14  }
0x17b: {  	vm1 =	vmand vm1, vm0;
	v8 =	vld.idx.msk [tilespmem:v8+s3+$0x0], $0xffff;
	v5 =	vmul.f32 v62, v62;
	v3 =	vadd.f32 v6, v3  }
0x17c: {  	v40 =	vadd.s32 $0x5A4, v37;
	v56 =	vld.idx.msk [tilespmem:v56+s3+$0x0], $0xffff;
	v2 =	vadd.f32 v2, v4;
	v13 =	vmul.f32 $5.000000000e-01, v14  }
0x17d: {  	v62 =	vmul.f32 v11, v24;
	v3 =	vadd.f32 v5, v3;
	v61 =	vmul.f32 v7, v23;
	v14 =	vld.idx.msk [tilespmem:v63+s3+$0x0], $0xffff  }
0x17e: {  	v58 =	vmul.f32 v59, v59;
	v63 =	vsel vm8, v29, v20;
	v20 =	vld [tilespmem:$0x1FF30];
	(erf) = vrcp.f32 v13  }
0x17f: {  	v4 =	vmul.f32 v57, v57;
	v11 =	vsub.f32 v16, v22;
	v22 =	vadd.f32 v62, v9  }
0x180: {  	v8 =	vmul.f32 v8, v8;
	v1 =	vadd.f32 v61, v1;
	v2 =	vadd.f32 v58, v2  }
0x181: {  	v60 =	vmul.f32 v56, v56;
	v5 =	vmul.f32 $5.000000000e-01, v22;
	v3 =	vadd.f32 v4, v3  }
0x182: {  	v59 =	vadd.s32 $0x3, v54;
	v1 =	vmul.f32 $5.000000000e-01, v1;
	v2 =	vadd.f32 v8, v2  }
0x183: {  	v29 =	vsel vm9, v38, v32;
	v8 =	vsub.f32 v63, v11;
	v16 =	vsub.f32 v20, v25  }
0x184: {  	v38 =	vsel vm9, v46, v45;
	v23 =	vmul.f32 v14, v14;
	v14 =	vsel vm8, v28, v17  }
0x185: {  	v8 =	vmul.f32 v8, v8;
	v25 =	vsel vm8, v27, v18;
	v24 =	vsub.f32 v19, v16  }
0x186: {  	v27 =	vmul.f32 v15, v41;
	v28 =	vsub.f32 v26, v35;
	v15 =	vsub.f32 v21, v36  }
0x187: {  	v1 =	vsub.f32 v25, v1;
	v5 =	vsub.f32 v14, v5;
	v9 =	vmul.f32 v24, v24;
	v14 =	vpop (erf)  }
0x188: {  	v10 =	vadd.f32 v27, v10;
	v32 =	vsub.f32 v30, v15;
	v14 =	vmul.f32 v14, v42  }
0x189: {  	v45 =	vadd.s32 $0x10E9, v47;
	v8 =	vadd.f32 v9, v8;
	v9 =	vsub.f32 v29, v28  }
0x18a: {  	v1 =	vmul.f32 v1, v1;
	v10 =	vmul.f32 $5.000000000e-01, v10;
	v13 =	vadd.f32 v14, v13  }
0x18b: {  	v11 =	vmul.f32 v32, v32;
	v9 =	vmul.f32 v9, v9;
	v14 =	vsel vm9, v39, v33  }
0x18c: {  	v35 =	vsel vm8, v44, v43;
	v10 =	vsub.f32 v14, v10;
	v13 =	vmul.f32 $5.000000000e-01, v13  }
0x18d: {  	v5 =	vmul.f32 v5, v5;
	v1 =	vadd.f32 v1, v8;
	v9 =	vadd.f32 v11, v9  }
0x18e: {  	v10 =	vmul.f32 v10, v10;
	v8 =	vsub.f32 v34, v13;
	v13 =	vsel vm8, v50, v48  }
0x18f: {  	v15 =	vadd.s32 $0x9, v37;
	v1 =	vadd.f32 v5, v1;
	v11 =	vsub.f32 v13, v35  }
0x190: {  	v15 =	vadd.s32 v15, v47;
	v36 =	vadd.f32 v10, v9;
	v8 =	vmul.f32 v8, v8  }
0x191: {  	v39 =	vadd.s32 $0x4, v37;
	v1 =	vsel vm14, $0x0, v1;
	v11 =	vmul.f32 v11, v11  }
0x192: {  	(xrf2) =	vadd.scan.msk.f32 $0xffff, v1;
	v13 =	vmul.f32 v13, v13;
	v5 =	vadd.f32 v8, v36;
	v8 =	vadd.s32 v39, v47  }
0x193: {  	v41 =	vadd.s32 v40, v47;
	v42 =	vadd.s32 $0x5A9, v37;
	v1 =	vsel vm14, $0x0, v11  }
0x194: {  	v6 =	vld.idx.msk [tilespmem:v59+s3+$0x0], $0xffff;
	v16 =	vadd.s32 v42, v47;
	v14 =	vsel vm9, v51, v49;
	v13 =	vsel vm14, $0x0, v13;
	(xrf2) =	vadd.scan.msk.f32 $0xffff, v1  }
0x195: {  	v54 =	vld [tilespmem:$0x1FFF0];
	v9 =	vadd.s32 $0xB49, v37;
	v10 =	vsub.f32 v14, v38;
	(xrf2) =	vadd.scan.msk.f32 $0xffff, v13;
	v13 =	vsel vm13, $0x0, v53  }
0x196: {  	v43 =	vadd.s32 $0xB44, v37;
	v15 =	vld.idx.msk [tilespmem:v15+s3+$0x0], $0xffff;
	v9 =	vadd.s32 v9, v47;
	(xrf2) =	vadd.scan.msk.f32 $0xffff, v13;
	v13 =	vimm.f32 $1.000000000e+00  }
0x197: {  	v10 =	vmul.f32 v10, v10;
	v1 =	vadd.s32 v43, v47;
	v8 =	vld.idx.msk [tilespmem:v8+s3+$0x0], $0xffff;
	v13 =	vsel vm13, $0x0, v13  }
0x198: {  	v44 =	vadd.s32 $0x10E4, v47;
	v11 =	vld.idx.msk [tilespmem:v41+s3+$0x0], $0xffff;
	v46 =	vnsel vm1, $0x0, v5;
	v47 =	vmul.f32 v14, v14;
	(xrf2) =	vadd.scan.msk.f32 $0xffff, v13  }
0x199: {  	v2 =	vadd.f32 v60, v2;
	v6 =	vmul.f32 v6, v6;
	v48 =	vnsel vm1, $0x0, v10;
	v13 =	vld.idx.msk [tilespmem:v16+s3+$0x0], $0xffff;
	(xrf2) =	vadd.scan.msk.f32 $0xffff, v46  }
0x19a: {  	vm2 =	vmand vm2, vm0;
	vm0 =	vmand vm3, vm0;
	v56 =	vld.idx.msk [tilespmem:v45+s3+$0x0], $0xffff;
	v49 =	vnsel vm1, $0x0, v47;
	(xrf2) =	vadd.scan.msk.f32 $0xffff, v48  }
0x19b: {  	v3 =	vadd.f32 v23, v3;
	v2 =	vadd.f32 v6, v2;
	v51 =	vnsel vm2, $0x0, v52;
	v50 =	vld.idx.msk [tilespmem:v9+s3+$0x0], $0xffff;
	(xrf2) =	vadd.scan.msk.f32 $0xffff, v49  }
0x19c: {  	v4 =	vsel vm12, $0x0, v54;
	v55 =	vmul.f32 v15, v15;
	v53, _, _ =	vpop (xrf2);
	v1 =	vld.idx.msk [tilespmem:v1+s3+$0x0], $0xffff;
	(xrf2) =	vadd.scan.msk.f32 $0xffff, v51;
	v8 =	vmul.f32 v8, v8  }
0x19d: {  	v3 =	vnsel vm0, $0x0, v3;
	v2 =	vsel vm11, $0x0, v2;
	v52 =	vld.idx.msk [tilespmem:v44+s3+$0x0], $0xffff;
	(xrf2) =	vadd.scan.msk.f32 $0xffff, v4  }
0x19e: {  	v58 =	vmul.f32 v11, v11;
	v59 =	vmul.f32 v13, v13;
	v57, _, _ =	vpop (xrf2);
	(xrf2) =	vadd.scan.msk.f32 $0xffff, v2;
	v2 =	vadd.f32 v55, v8  }
0x19f: {  	(xrf2) =	vadd.scan.msk.f32 $0xffff, v3  }
0x1a0: {  	(v2sf) =	vpush v53, $0xF;
	v3, _, _ =	vpop (xrf2);
	(xrf2) =	vadd.scan.msk.f32 $0xffff, v2;
	v2 =	vadd.f32 v59, v58  }
0x1a1: {  	v60 =	vmul.f32 v50, v50;
	v1 =	vmul.f32 v1, v1;
	(v2sf) =	vpush v57, $0xF  }
0x1a2: {  	v62 =	vmul.f32 v56, v56;
	v61, _, _ =	vpop (xrf2);
	(v2sf) =	vpush v3, $0xF;
	v3 =	vmul.f32 v52, v52  }
0x1a3: {  	v1 =	vadd.f32 v60, v1;
	(v2sf) =	vpush v61, $0xF;
	v63, _, _ =	vpop (xrf2)  }
0x1a4: {  	(xrf2) =	vadd.scan.msk.f32 $0xffff, v2;
	v3 =	vadd.f32 v62, v3;
	(v2sf) =	vpush v63, $0xF;
	v2, _, _ =	vpop (xrf2)  }
0x1a5: {  	vm15 =	vmmov $0x1;
	(v2sf) =	vpush v2, $0xF;
	v2, _, _ =	vpop (xrf2)  }
0x1a6: {  	(xrf2) =	vadd.scan.msk.f32 $0xffff, v1;
	(v2sf) =	vpush v2, $0xF;
	v2 =	vnsel vm15, $0x0, v3  }
0x1a7: {  	v1, _, _ =	vpop (xrf2)  }
0x1a8: {  	(v2sf) =	vpush v1, $0xF;
	v1, _, _ =	vpop (xrf2);
	(xrf2) =	vadd.scan.msk.f32 $0xffff, v2  }
0x1a9: {  	(v2sf) =	vpush v1, $0xF;
	v2, _, _ =	vpop (xrf2)  }
0x1aa: {  	v1, _, _ =	vpop (xrf2);
	(v2sf) =	vpush v2, $0xF  }
0x1ab: {  	v2, _, _ =	vpop (xrf2);
	(v2sf) =	vpush v1, $0xF  }
0x1ac: {  	v1, _, _ =	vpop (xrf2);
	(v2sf) =	vpush v2, $0xF  }
0x1ad: {  	(v2sf) =	vpush v1, $0xF  }
0x1ae: {  	v1, _, _ =	vpop (xrf2)  }
0x1af: {  	(v2sf) =	vpush v1, $0xF  }
0x1b0: {  	s22 =	spop (v2sf);
	v1, _, _ =	vpop (xrf2)  }
0x1b1: {  	s23 =	spop (v2sf);
	(v2sf) =	vpush v1, $0xF  }
0x1b2: {  	s24 =	spop (v2sf);
	v1, _, _ =	vpop (xrf2)  }
0x1b3: {  	s25 =	spop (v2sf);
	(v2sf) =	vpush v1, $0xF  }
0x1b4: {  	s21 =	sadd.f32 s22, s21;
	s30 =	spop (v2sf)  }
0x1b5: {  	s20 =	sadd.f32 s23, s20;
	s31 =	spop (v2sf)  }
0x1b6: {  	s19 =	sadd.f32 s24, s19;
	s26 =	spop (v2sf)  }
0x1b7: {  	s16 =	sadd.f32 s25, s16;
	s28 =	spop (v2sf)  }
0x1b8: {  	s15 =	sadd.f32 s30, s15;
	s29 =	spop (v2sf)  }
0x1b9: {  	s21 =	sadd.f32 s31, s21;
	s30 =	spop (v2sf)  }
0x1ba: {  	s20 =	sadd.f32 s26, s20;
	s31 =	spop (v2sf)  }
0x1bb: {  	s19 =	sadd.f32 s28, s19;
	s26 =	spop (v2sf)  }
0x1bc: {  	s16 =	sadd.f32 s29, s16;
	s28 =	spop (v2sf)  }
0x1bd: {  	s17 =	sadd.s32 $0x1, s17;
	s18 =	sadd.f32 s28, s18  }
0x1be: {  	p0 =	sne.s32 s17, $0x4;
	s15 =	sadd.f32 s30, s15;
	s29 =	spop (v2sf)  }
.Ltmp2:
0x1bf: {  	s18 =	sadd.f32 s29, s18;
	(pc) =	sbr.rel @p0 .LBB2_2-.Ltmp2, $4  }
0x1c0: {  	s14 =	sadd.f32 s31, s14;
	s30 =	spop (v2sf)  }
0x1c1: {  	s18 =	sadd.f32 s30, s18  }
0x1c2: {  	s14 =	sadd.f32 s26, s14;
	s31 =	spop (v2sf)  }
0x1c3: {  	s18 =	sadd.f32 s31, s18  }
0x1c4: {  	s17 =	smul.f32 $5.000000000e+00, s21;
	_ =	sdelay $0x1  }
0x1c5: {  	vm0 =	vcmask $0x300;
	v1 =	vmov s17  }
0x1c6: {  	vm10 =	vcmask $0x704;
	v1 =	vnsel vm0, $0x0, v1  }
0x1c7: {  	vm11 =	vcmask $0xB08;
	v1 =	vsel vm10, s20, v1  }
0x1c8: {  	vm12 =	vcmask $0xF0C;
	v1 =	vsel vm11, s19, v1  }
0x1c9: {  	vm13 =	vcmask $0x1310;
	v1 =	vsel vm12, s18, v1  }
0x1ca: {  	vm14 =	vcmask $0x1714;
	v1 =	vsel vm13, s14, v1  }
0x1cb: {  	vm15 =	vcmask $0x1B18;
	s13 =	sadd.s32 $0x1, s13;
	v1 =	vsel vm14, s16, v1  }
0x1cc: {  	p0 =	sne.s32 s13, s8;
	v1 =	vsel vm15, s15, v1  }
.Ltmp3:
0x1cd: {  	[tilespmem:$0x8100] =	vst v1;
	(pc) =	sbr.rel @p0 .LBB2_1-.Ltmp3, $4  }
0x1ce: {  	[hbm4b:s7+s3] =	stream.linear.scatter [tilespmem:s12], [sflag:$0x1], $0x80, $0x38;
	[tilespmem:$0x8180] =	vst v63  }
0x1cf: {  	_ =	swait.ge [sflag:s9], $0x80  }
0x1d0: {  	[sflag:s9] =	ssyncset.done $0x0  }
0x1d1: {  	[sflag:s9] =	ssyncadd.s32 $0xFFFFFF80  }
0x1d2: {  	_ =	sfence.sel $0x180000  }
0x1d3: {  	[bflag:$0x0] =	sbarrier.arrive $0xFFFF  }
0x1d4: {  	p0 =	sne.s32 s4, $0x0;
	_ =	strace $0x90000047  }
0x1d5: {  	s0 =	sadd.s32 @!p0 $0x100000, s0;
	[bflag:$0x2] =	sbarrier.arrive $0xFFFF  }
0x1d6: {  	[sflag:s0] =	ssyncadd.tile.s32 @!p0 $0x1;
	_ =	shalt  }
.Lfunc_end2:
_tile_overlayer_lowered:
.L_overlay_start_2:
0x1d7: {  	(tag) =	ssettag $0x2  }
0x1d8: {  	s0 =	rddreg [dreg:$0x0];
	s2 =	stileid.u32  }
0x1d9: {  	s1 =	rddreg [dreg:$0x1];
	p0 =	sne.s32 s2, $0x0  }
0x1da: {  	s3 =	rddreg [dreg:$0x2];
	[bflag:$0x3] =	sbarrier.arrive $0xFFFF;
	s2 =	simm.s32 @!p0 $0x1C01  }
0x1db: {  	[timem:s3], [sflag:s2] =	dma.local @!p0 [hbm:s0], s1  }
0x1dc: {  	s0 =	simm.s32 @!p0 $0x1  }
0x1dd: {  	_ =	swait.ge @!p0 [sflag:s0], s1  }
0x1de: {  	s1 =	ssub.s32 @!p0 $0x0, s1;
	[sflag:s0] =	ssyncset.done @!p0 $0x0  }
0x1df: {  	[sflag:s0] =	ssyncadd.s32 @!p0 s1  }
0x1e0: {  	[bflag:$0x3] =	sbarrier.arrive $0xFFFF  }
0x1e1: {  	_ =	shalt  }

</sc_bundles>
